<compile_context>
chip_gen: v7x
topology: tpu7x:2x2x1
jax: 0.10.2.dev20260603
libtpu: 0.0.44.dev20260713+nightly
codegen_flags: <defaults>
</compile_context>

<pallas_src>
import jax
import jax.numpy as jnp
from jax import lax
from jax.experimental import pallas as pl
from jax.experimental.pallas import tpu as pltpu
from jax.experimental.pallas import tpu_sc as plsc

N_NODES = 10000
N_PAD = 10240
N_EDGES = 320000
D = 128
DH = D // 2

NC = 2
NS = 16
E_PER_S = N_EDGES // NS
CHUNK = 128
N_FULL = E_PER_S // CHUNK
TAIL = E_PER_S - N_FULL * CHUNK
ROWS_PER_TILE = N_PAD // NS


def _sc_kernel(xv_hbm, ei_hbm, acc_out, cnt_out,
               src_all, dst_all, idx0, idx1, idx2, rows0, rows1, rows2,
               zacc, hist, acc_sh, gsem0, gsem1, gsem2, ssem0, ssem1, ssem2):
    cid = lax.axis_index("c")
    sid = lax.axis_index("s")

    zero16 = jnp.zeros((16,), jnp.float32)
    one16 = jnp.ones((16,), jnp.float32)

    def init_zacc(i, carry):
        for c8 in range(DH // 16):
            zacc[i, pl.ds(c8 * 16, 16)] = zero16
        return carry

    lax.fori_loop(0, 128, init_zacc, 0)

    ebase = sid * E_PER_S

    for b in range(ROWS_PER_TILE // 128):
        pltpu.async_copy(zacc,
                         acc_sh.at[pl.ds(sid * ROWS_PER_TILE + b * 128, 128)],
                         ssem0)
    pltpu.async_copy(ei_hbm.at[0, pl.ds(ebase, E_PER_S)], src_all, gsem0)
    pltpu.async_copy(ei_hbm.at[1, pl.ds(ebase, E_PER_S)], dst_all, gsem1)

    def init_hist(i, carry):
        hist[pl.ds(i * 16, 16)] = zero16
        return carry

    lax.fori_loop(0, N_PAD // 16, init_hist, 0)

    for b in range(ROWS_PER_TILE // 128):
        pltpu.make_async_copy(
            zacc, acc_sh.at[pl.ds(sid * ROWS_PER_TILE + b * 128, 128)],
            ssem0).wait()
    pltpu.make_async_copy(ei_hbm.at[0, pl.ds(ebase, E_PER_S)], src_all,
                          gsem0).wait()
    pltpu.make_async_copy(ei_hbm.at[1, pl.ds(ebase, E_PER_S)], dst_all,
                          gsem1).wait()

    plsc.subcore_barrier()

    def gather(i, buf, ibuf, sem):
        for g in range(CHUNK // 16):
            v = src_all[pl.ds(i * CHUNK + g * 16, 16)]
            ibuf[pl.ds(g * 16, 16)] = v + v + cid
        pltpu.async_copy(xv_hbm.at[ibuf], buf, sem)

    def gwait(buf, sem):
        pltpu.make_async_copy(xv_hbm.at[pl.ds(0, CHUNK)], buf, sem).wait()

    def acc_scatter(i, buf, sem):
        didx = dst_all.at[pl.ds(i * CHUNK, CHUNK)]
        pltpu.async_copy(buf, acc_sh.at[didx], sem, add=True)

    def acc_swait(i, buf, sem):
        didx = dst_all.at[pl.ds(i * CHUNK, CHUNK)]
        pltpu.make_async_copy(buf, acc_sh.at[didx], sem).wait()

    BUFS = [(rows0, idx0, gsem0, ssem0), (rows1, idx1, gsem1, ssem1),
            (rows2, idx2, gsem2, ssem2)]
    NBUF = len(BUFS)

    for k in range(NBUF - 1):
        gather(k, BUFS[k][0], BUFS[k][1], BUFS[k][2])

    def stage(i, buf, gsem, ssem, nbuf, nibuf, ngsem, nssem):
        gwait(buf, gsem)

        @pl.when(i > 0)
        def _():
            acc_swait(i - 1, nbuf, nssem)

        @pl.when(i + NBUF - 1 < N_FULL)
        def _():
            gather(i + NBUF - 1, nbuf, nibuf, ngsem)

        acc_scatter(i, buf, ssem)

        for g in range(CHUNK // 16):
            idx = dst_all[pl.ds(i * CHUNK + g * 16, 16)]
            plsc.addupdate_scatter(hist, [idx], one16)

    def nbuf_chunks(j, carry):
        for k in range(NBUF):
            buf, _, gsem, ssem = BUFS[k]
            nbuf, nibuf, ngsem, nssem = BUFS[(k + NBUF - 1) % NBUF]
            stage(NBUF * j + k, buf, gsem, ssem, nbuf, nibuf, ngsem, nssem)
        return carry

    lax.fori_loop(0, N_FULL // NBUF, nbuf_chunks, 0)
    acc_swait(N_FULL - 1, rows2, ssem2)

    for g in range(TAIL // 16):
        v = src_all[pl.ds(N_FULL * CHUNK + g * 16, 16)]
        idx0[pl.ds(g * 16, 16)] = v + v + cid
    tidx = idx0.at[pl.ds(0, TAIL)]
    tbuf = rows0.at[pl.ds(0, TAIL)]
    pltpu.sync_copy(xv_hbm.at[tidx], tbuf)

    tdidx = dst_all.at[pl.ds(N_FULL * CHUNK, TAIL)]
    pltpu.sync_copy(tbuf, acc_sh.at[tdidx], add=True)

    for g in range(TAIL // 16):
        idx = dst_all[pl.ds(N_FULL * CHUNK + g * 16, 16)]
        plsc.addupdate_scatter(hist, [idx], one16)

    @pl.when(cid == 0)
    def _():
        pltpu.sync_copy(hist, cnt_out.at[sid])

    plsc.subcore_barrier()

    rbase = sid * ROWS_PER_TILE
    pltpu.sync_copy(acc_sh.at[pl.ds(rbase, ROWS_PER_TILE)],
                    acc_out.at[cid, pl.ds(rbase, ROWS_PER_TILE)])


@jax.jit
def _sc_aggregate(xv, edge_index):
    mesh = plsc.VectorSubcoreMesh(core_axis_name="c", subcore_axis_name="s")
    f = pl.kernel(
        _sc_kernel,
        out_type=[
            jax.ShapeDtypeStruct((NC, N_PAD, DH), jnp.float32),
            jax.ShapeDtypeStruct((NS, N_PAD), jnp.float32),
        ],
        mesh=mesh,
        scratch_types=[
            pltpu.VMEM((E_PER_S,), jnp.int32),
            pltpu.VMEM((E_PER_S,), jnp.int32),
            pltpu.VMEM((CHUNK,), jnp.int32),
            pltpu.VMEM((CHUNK,), jnp.int32),
            pltpu.VMEM((CHUNK,), jnp.int32),
            pltpu.VMEM((CHUNK, DH), jnp.float32),
            pltpu.VMEM((CHUNK, DH), jnp.float32),
            pltpu.VMEM((CHUNK, DH), jnp.float32),
            pltpu.VMEM((128, DH), jnp.float32),
            pltpu.VMEM((N_PAD,), jnp.float32),
            pltpu.VMEM_SHARED((N_PAD, DH), jnp.float32),
            pltpu.SemaphoreType.DMA,
            pltpu.SemaphoreType.DMA,
            pltpu.SemaphoreType.DMA,
            pltpu.SemaphoreType.DMA,
            pltpu.SemaphoreType.DMA,
            pltpu.SemaphoreType.DMA,
        ],
        compiler_params=pltpu.CompilerParams(use_tc_tiling_on_sc=False,
                                             needs_layout_passes=False),
    )
    return f(xv, edge_index)


def _tc_finish_body(acc_ref, cnt_ref, w_ref, o_ref):
    s = jnp.concatenate([acc_ref[0], acc_ref[1]], axis=1)
    c = jnp.sum(cnt_ref[...], axis=0)
    z = lax.dot_general(s, w_ref[...], (((1,), (1,)), ((), ())),
                        preferred_element_type=jnp.float32)
    o_ref[...] = z / jnp.maximum(c, 1.0)[:, None]


@jax.jit
def _tc_finish(acc, cnt, W):
    blk = 1024
    return pl.pallas_call(
        _tc_finish_body,
        grid=(N_PAD // blk,),
        in_specs=[
            pl.BlockSpec((NC, blk, DH), lambda i: (0, i, 0)),
            pl.BlockSpec((NS, blk), lambda i: (0, i)),
            pl.BlockSpec((D, D), lambda i: (0, 0)),
        ],
        out_specs=pl.BlockSpec((blk, D), lambda i: (i, 0)),
        out_shape=jax.ShapeDtypeStruct((N_PAD, D), jnp.float32),
    )(acc, cnt, W)


def kernel(x, edge_index, W):
    acc, cnt = _sc_aggregate(x.reshape(2 * N_NODES, DH), edge_index)
    return _tc_finish(acc, cnt, W)[:N_NODES]

# --- scband reference (transcript-rebuilt; emitter-appended) ---
"""Pipeline reference for scband-gcnlayer-1151051235750 (READ-ONLY COPY).

The authoritative reference and input builder live on the scoring server;
editing this copy changes nothing except your own understanding.
"""

import jax, jax.numpy as jnp
import numpy as np

N_NODES = 10000
N_EDGES = 320000
D_IN = 128
D_OUT = 128


def setup_inputs(seed: int = 0) -> dict:
    key = jax.random.key(seed)
    k1, k2, k3 = jax.random.split(key, 3)
    x = jax.random.normal(k1, (N_NODES, D_IN), dtype=jnp.float32)
    edge_index = jax.random.randint(k2, (2, N_EDGES), 0, N_NODES, dtype=jnp.int32)
    # nn.Linear(in_features, out_features, bias=False): weight shape [out, in]
    W = jax.random.normal(k3, (D_OUT, D_IN), dtype=jnp.float32) / np.sqrt(D_IN)
    return {"x": x, "edge_index": edge_index, "W": W}


def reference(x, edge_index, W):
    # z = self.fc(h)
    z = x @ W.T
    src = edge_index[0]
    dst = edge_index[1]
    # message: z[src]; reduce: mean over mailbox per destination node
    msg = jnp.take(z, src, axis=0)
    summed = jax.ops.segment_sum(msg, dst, num_segments=N_NODES)
    cnt = jax.ops.segment_sum(jnp.ones((N_EDGES,), dtype=z.dtype), dst, num_segments=N_NODES)
    # DGL mean reduce: nodes with no incoming edges end up with zeros
    h = summed / jnp.maximum(cnt, 1.0)[:, None]
    return h

if __name__ == "__main__":
    import jax
    _d = setup_inputs()
    print(jax.jit(kernel)(*tuple(_d.values())))

</pallas_src>

<mosaic_0001>
#map = affine_map<(d0, d1) -> (0, 0)>
#map1 = affine_map<(d0, d1) -> (0, 0, 0)>
module attributes {stable_mosaic.version = 14 : i64} {
  func.func @_sc_kernel(%arg0: i32, %arg1: i32, %arg2: memref<20000x64xf32, #tpu.memory_space<hbm>>, %arg3: memref<2x320000xi32, #tpu.memory_space<hbm>>, %arg4: memref<2x10240x64xf32, #tpu.memory_space<hbm>>, %arg5: memref<16x10240xf32, #tpu.memory_space<hbm>>, %arg6: memref<20000xi32, #tpu.memory_space<vmem>>, %arg7: memref<20000xi32, #tpu.memory_space<vmem>>, %arg8: memref<128xi32, #tpu.memory_space<vmem>>, %arg9: memref<128xi32, #tpu.memory_space<vmem>>, %arg10: memref<128xi32, #tpu.memory_space<vmem>>, %arg11: memref<128x64xf32, #tpu.memory_space<vmem>>, %arg12: memref<128x64xf32, #tpu.memory_space<vmem>>, %arg13: memref<128x64xf32, #tpu.memory_space<vmem>>, %arg14: memref<128x64xf32, #tpu.memory_space<vmem>>, %arg15: memref<10240xf32, #tpu.memory_space<vmem>>, %arg16: memref<10240x64xf32, #tpu.memory_space<vmem_shared>>, %arg17: memref<!tpu.dma_semaphore, #tpu.memory_space<semaphore_mem>>, %arg18: memref<!tpu.dma_semaphore, #tpu.memory_space<semaphore_mem>>, %arg19: memref<!tpu.dma_semaphore, #tpu.memory_space<semaphore_mem>>, %arg20: memref<!tpu.dma_semaphore, #tpu.memory_space<semaphore_mem>>, %arg21: memref<!tpu.dma_semaphore, #tpu.memory_space<semaphore_mem>>, %arg22: memref<!tpu.dma_semaphore, #tpu.memory_space<semaphore_mem>>) attributes {dimension_semantics = [#tpu.dimension_semantics<core_parallel>, #tpu.dimension_semantics<subcore_parallel>], iteration_bounds = array<i64: 2, 16>, scalar_prefetch = 0 : i64, scratch_operands = 17 : i64, tpu.core_type = #tpu.core_type<sc_vector_subcore>, window_params = [{transform_indices = #map}, {transform_indices = #map}, {transform_indices = #map1}, {transform_indices = #map}]} {
    %broadcast_in_dim3A = arith.constant 0.000000e+00 : f32
    %broadcast_in_dim3A_0 = vector.broadcast %broadcast_in_dim3A : f32 to vector<16xf32>
    %broadcast_in_dim3A_1 = arith.constant 1.000000e+00 : f32
    %broadcast_in_dim3A_2 = vector.broadcast %broadcast_in_dim3A_1 : f32 to vector<16xf32>
    %scan3A = arith.constant 0 : i32
    %scan3A_3 = arith.constant 0 : i32
    %scan3A_4 = arith.constant 128 : i32
    %scan3A_5 = arith.addi %scan3A_3, %scan3A_4 : i32
    %scan3A_6 = arith.constant 1 : i32
    scf.for %scan3A_262 = %scan3A_3 to %scan3A_5 step %scan3A_6  : i32 {
      %swap3A_263 = arith.index_cast %scan3A_262 : i32 to index
      %swap3A_264 = arith.constant 0 : index
      %swap3A_265 = tpu.vector_load %arg14[%swap3A_263, %swap3A_264] {strides = array<i32>} : memref<128x64xf32, #tpu.memory_space<vmem>>, vector<16xf32>,
      tpu.vector_store %arg14[%swap3A_263, %swap3A_264], %broadcast_in_dim3A_0 {strides = array<i32>} : memref<128x64xf32, #tpu.memory_space<vmem>>, vector<16xf32>,
      %swap3A_266 = arith.index_cast %scan3A_262 : i32 to index
      %swap3A_267 = arith.constant 16 : index
      %swap3A_268 = tpu.vector_load %arg14[%swap3A_266, %swap3A_267] {strides = array<i32>} : memref<128x64xf32, #tpu.memory_space<vmem>>, vector<16xf32>,
      tpu.vector_store %arg14[%swap3A_266, %swap3A_267], %broadcast_in_dim3A_0 {strides = array<i32>} : memref<128x64xf32, #tpu.memory_space<vmem>>, vector<16xf32>,
      %swap3A_269 = arith.index_cast %scan3A_262 : i32 to index
      %swap3A_270 = arith.constant 32 : index
      %swap3A_271 = tpu.vector_load %arg14[%swap3A_269, %swap3A_270] {strides = array<i32>} : memref<128x64xf32, #tpu.memory_space<vmem>>, vector<16xf32>,
      tpu.vector_store %arg14[%swap3A_269, %swap3A_270], %broadcast_in_dim3A_0 {strides = array<i32>} : memref<128x64xf32, #tpu.memory_space<vmem>>, vector<16xf32>,
      %swap3A_272 = arith.index_cast %scan3A_262 : i32 to index
      %swap3A_273 = arith.constant 48 : index
      %swap3A_274 = tpu.vector_load %arg14[%swap3A_272, %swap3A_273] {strides = array<i32>} : memref<128x64xf32, #tpu.memory_space<vmem>>, vector<16xf32>,
      tpu.vector_store %arg14[%swap3A_272, %swap3A_273], %broadcast_in_dim3A_0 {strides = array<i32>} : memref<128x64xf32, #tpu.memory_space<vmem>>, vector<16xf32>,
    }
    %scan3A_7 = arith.constant 128 : i32
    %mul3A = arith.constant 20000 : i32
    %mul3A_8 = arith.muli %arg1, %mul3A : i32
    %mul3A_9 = arith.constant 640 : i32
    %mul3A_10 = arith.muli %arg1, %mul3A_9 : i32
    %add3A = arith.constant 0 : i32
    %add3A_11 = arith.addi %mul3A_10, %add3A : i32
    %dma_start3A = arith.constant 0 : i32
    %dma_start3A_12 = tpu.memref_slice %arg16[%add3A_11, %dma_start3A] : memref<10240x64xf32, #tpu.memory_space<vmem_shared>> -> memref<128x64xf32, #tpu.memory_space<vmem_shared>>
    %dma_start3A_13 = arith.constant 0 : i32
    %dma_start3A_14 = tpu.memref_slice %arg16[%add3A_11, %dma_start3A_13] : memref<10240x64xf32, #tpu.memory_space<vmem_shared>> -> memref<128x64xf32, #tpu.memory_space<vmem_shared>>
    tpu.enqueue_dma source(%arg14 : memref<128x64xf32, #tpu.memory_space<vmem>>) target(%dma_start3A_14 : memref<128x64xf32, #tpu.memory_space<vmem_shared>>) target_semaphore(%arg20 : memref<!tpu.dma_semaphore, #tpu.memory_space<semaphore_mem>>)
    %mul3A_15 = arith.constant 640 : i32
    %mul3A_16 = arith.muli %arg1, %mul3A_15 : i32
    %add3A_17 = arith.constant 128 : i32
    %add3A_18 = arith.addi %mul3A_16, %add3A_17 : i32
    %dma_start3A_19 = arith.constant 0 : i32
    %dma_start3A_20 = tpu.memref_slice %arg16[%add3A_18, %dma_start3A_19] : memref<10240x64xf32, #tpu.memory_space<vmem_shared>> -> memref<128x64xf32, #tpu.memory_space<vmem_shared>>
    %dma_start3A_21 = arith.constant 0 : i32
    %dma_start3A_22 = tpu.memref_slice %arg16[%add3A_18, %dma_start3A_21] : memref<10240x64xf32, #tpu.memory_space<vmem_shared>> -> memref<128x64xf32, #tpu.memory_space<vmem_shared>>
    tpu.enqueue_dma source(%arg14 : memref<128x64xf32, #tpu.memory_space<vmem>>) target(%dma_start3A_22 : memref<128x64xf32, #tpu.memory_space<vmem_shared>>) target_semaphore(%arg20 : memref<!tpu.dma_semaphore, #tpu.memory_space<semaphore_mem>>)
    %mul3A_23 = arith.constant 640 : i32
    %mul3A_24 = arith.muli %arg1, %mul3A_23 : i32
    %add3A_25 = arith.constant 256 : i32
    %add3A_26 = arith.addi %mul3A_24, %add3A_25 : i32
    %dma_start3A_27 = arith.constant 0 : i32
    %dma_start3A_28 = tpu.memref_slice %arg16[%add3A_26, %dma_start3A_27] : memref<10240x64xf32, #tpu.memory_space<vmem_shared>> -> memref<128x64xf32, #tpu.memory_space<vmem_shared>>
    %dma_start3A_29 = arith.constant 0 : i32
    %dma_start3A_30 = tpu.memref_slice %arg16[%add3A_26, %dma_start3A_29] : memref<10240x64xf32, #tpu.memory_space<vmem_shared>> -> memref<128x64xf32, #tpu.memory_space<vmem_shared>>
    tpu.enqueue_dma source(%arg14 : memref<128x64xf32, #tpu.memory_space<vmem>>) target(%dma_start3A_30 : memref<128x64xf32, #tpu.memory_space<vmem_shared>>) target_semaphore(%arg20 : memref<!tpu.dma_semaphore, #tpu.memory_space<semaphore_mem>>)
    %mul3A_31 = arith.constant 640 : i32
    %mul3A_32 = arith.muli %arg1, %mul3A_31 : i32
    %add3A_33 = arith.constant 384 : i32
    %add3A_34 = arith.addi %mul3A_32, %add3A_33 : i32
    %dma_start3A_35 = arith.constant 0 : i32
    %dma_start3A_36 = tpu.memref_slice %arg16[%add3A_34, %dma_start3A_35] : memref<10240x64xf32, #tpu.memory_space<vmem_shared>> -> memref<128x64xf32, #tpu.memory_space<vmem_shared>>
    %dma_start3A_37 = arith.constant 0 : i32
    %dma_start3A_38 = tpu.memref_slice %arg16[%add3A_34, %dma_start3A_37] : memref<10240x64xf32, #tpu.memory_space<vmem_shared>> -> memref<128x64xf32, #tpu.memory_space<vmem_shared>>
    tpu.enqueue_dma source(%arg14 : memref<128x64xf32, #tpu.memory_space<vmem>>) target(%dma_start3A_38 : memref<128x64xf32, #tpu.memory_space<vmem_shared>>) target_semaphore(%arg20 : memref<!tpu.dma_semaphore, #tpu.memory_space<semaphore_mem>>)
    %mul3A_39 = arith.constant 640 : i32
    %mul3A_40 = arith.muli %arg1, %mul3A_39 : i32
    %add3A_41 = arith.constant 512 : i32
    %add3A_42 = arith.addi %mul3A_40, %add3A_41 : i32
    %dma_start3A_43 = arith.constant 0 : i32
    %dma_start3A_44 = tpu.memref_slice %arg16[%add3A_42, %dma_start3A_43] : memref<10240x64xf32, #tpu.memory_space<vmem_shared>> -> memref<128x64xf32, #tpu.memory_space<vmem_shared>>
    %dma_start3A_45 = arith.constant 0 : i32
    %dma_start3A_46 = tpu.memref_slice %arg16[%add3A_42, %dma_start3A_45] : memref<10240x64xf32, #tpu.memory_space<vmem_shared>> -> memref<128x64xf32, #tpu.memory_space<vmem_shared>>
    tpu.enqueue_dma source(%arg14 : memref<128x64xf32, #tpu.memory_space<vmem>>) target(%dma_start3A_46 : memref<128x64xf32, #tpu.memory_space<vmem_shared>>) target_semaphore(%arg20 : memref<!tpu.dma_semaphore, #tpu.memory_space<semaphore_mem>>)
    %dma_start3A_47 = arith.constant 0 : i32
    %dma_start3A_48 = tpu.memref_slice %arg3[%dma_start3A_47, %mul3A_8] : memref<2x320000xi32, #tpu.memory_space<hbm>> -> memref<1x20000xi32, #tpu.memory_space<hbm>>
    %dma_start3A_49 = tpu.memref_squeeze %dma_start3A_48 : memref<1x20000xi32, #tpu.memory_space<hbm>> -> memref<20000xi32, #tpu.memory_space<hbm>>
    %dma_start3A_50 = tpu.memref_slice %arg3[%dma_start3A_47, %mul3A_8] : memref<2x320000xi32, #tpu.memory_space<hbm>> -> memref<1x20000xi32, #tpu.memory_space<hbm>>
    %dma_start3A_51 = tpu.memref_squeeze %dma_start3A_50 : memref<1x20000xi32, #tpu.memory_space<hbm>> -> memref<20000xi32, #tpu.memory_space<hbm>>
    tpu.enqueue_dma source(%dma_start3A_51 : memref<20000xi32, #tpu.memory_space<hbm>>) target(%arg6 : memref<20000xi32, #tpu.memory_space<vmem>>) target_semaphore(%arg17 : memref<!tpu.dma_semaphore, #tpu.memory_space<semaphore_mem>>)
    %dma_start3A_52 = arith.constant 1 : i32
    %dma_start3A_53 = tpu.memref_slice %arg3[%dma_start3A_52, %mul3A_8] : memref<2x320000xi32, #tpu.memory_space<hbm>> -> memref<1x20000xi32, #tpu.memory_space<hbm>>
    %dma_start3A_54 = tpu.memref_squeeze %dma_start3A_53 : memref<1x20000xi32, #tpu.memory_space<hbm>> -> memref<20000xi32, #tpu.memory_space<hbm>>
    %dma_start3A_55 = tpu.memref_slice %arg3[%dma_start3A_52, %mul3A_8] : memref<2x320000xi32, #tpu.memory_space<hbm>> -> memref<1x20000xi32, #tpu.memory_space<hbm>>
    %dma_start3A_56 = tpu.memref_squeeze %dma_start3A_55 : memref<1x20000xi32, #tpu.memory_space<hbm>> -> memref<20000xi32, #tpu.memory_space<hbm>>
    tpu.enqueue_dma source(%dma_start3A_56 : memref<20000xi32, #tpu.memory_space<hbm>>) target(%arg7 : memref<20000xi32, #tpu.memory_space<vmem>>) target_semaphore(%arg18 : memref<!tpu.dma_semaphore, #tpu.memory_space<semaphore_mem>>)
    %scan3A_57 = arith.constant 0 : i32
    %scan3A_58 = arith.constant 0 : i32
    %scan3A_59 = arith.constant 640 : i32
    %scan3A_60 = arith.addi %scan3A_58, %scan3A_59 : i32
    %scan3A_61 = arith.constant 1 : i32
    scf.for %scan3A_262 = %scan3A_58 to %scan3A_60 step %scan3A_61  : i32 {
      %mul3A_263 = arith.constant 16 : i32
      %mul3A_264 = arith.muli %scan3A_262, %mul3A_263 : i32
      %swap3A_265 = arith.index_cast %mul3A_264 : i32 to index
      %swap3A_266 = tpu.vector_load %arg15[%swap3A_265] {strides = array<i32>} : memref<10240xf32, #tpu.memory_space<vmem>>, vector<16xf32>,
      tpu.vector_store %arg15[%swap3A_265], %broadcast_in_dim3A_0 {strides = array<i32>} : memref<10240xf32, #tpu.memory_space<vmem>>, vector<16xf32>,
    }
    %scan3A_62 = arith.constant 640 : i32
    %mul3A_63 = arith.constant 640 : i32
    %mul3A_64 = arith.muli %arg1, %mul3A_63 : i32
    %add3A_65 = arith.constant 0 : i32
    %add3A_66 = arith.addi %mul3A_64, %add3A_65 : i32
    %dma_wait3A = arith.constant 0 : i32
    %dma_wait3A_67 = tpu.memref_slice %arg16[%add3A_66, %dma_wait3A] : memref<10240x64xf32, #tpu.memory_space<vmem_shared>> -> memref<128x64xf32, #tpu.memory_space<vmem_shared>>
    %dma_wait3A_68 = arith.constant 0 : i32
    %dma_wait3A_69 = tpu.memref_slice %arg16[%add3A_66, %dma_wait3A_68] : memref<10240x64xf32, #tpu.memory_space<vmem_shared>> -> memref<128x64xf32, #tpu.memory_space<vmem_shared>>
    tpu.wait_dma2 semaphore(%arg20 : memref<!tpu.dma_semaphore, #tpu.memory_space<semaphore_mem>>) src(%arg14 : memref<128x64xf32, #tpu.memory_space<vmem>>) dst(%dma_wait3A_69 : memref<128x64xf32, #tpu.memory_space<vmem_shared>>)
    %mul3A_70 = arith.constant 640 : i32
    %mul3A_71 = arith.muli %arg1, %mul3A_70 : i32
    %add3A_72 = arith.constant 128 : i32
    %add3A_73 = arith.addi %mul3A_71, %add3A_72 : i32
    %dma_wait3A_74 = arith.constant 0 : i32
    %dma_wait3A_75 = tpu.memref_slice %arg16[%add3A_73, %dma_wait3A_74] : memref<10240x64xf32, #tpu.memory_space<vmem_shared>> -> memref<128x64xf32, #tpu.memory_space<vmem_shared>>
    %dma_wait3A_76 = arith.constant 0 : i32
    %dma_wait3A_77 = tpu.memref_slice %arg16[%add3A_73, %dma_wait3A_76] : memref<10240x64xf32, #tpu.memory_space<vmem_shared>> -> memref<128x64xf32, #tpu.memory_space<vmem_shared>>
    tpu.wait_dma2 semaphore(%arg20 : memref<!tpu.dma_semaphore, #tpu.memory_space<semaphore_mem>>) src(%arg14 : memref<128x64xf32, #tpu.memory_space<vmem>>) dst(%dma_wait3A_77 : memref<128x64xf32, #tpu.memory_space<vmem_shared>>)
    %mul3A_78 = arith.constant 640 : i32
    %mul3A_79 = arith.muli %arg1, %mul3A_78 : i32
    %add3A_80 = arith.constant 256 : i32
    %add3A_81 = arith.addi %mul3A_79, %add3A_80 : i32
    %dma_wait3A_82 = arith.constant 0 : i32
    %dma_wait3A_83 = tpu.memref_slice %arg16[%add3A_81, %dma_wait3A_82] : memref<10240x64xf32, #tpu.memory_space<vmem_shared>> -> memref<128x64xf32, #tpu.memory_space<vmem_shared>>
    %dma_wait3A_84 = arith.constant 0 : i32
    %dma_wait3A_85 = tpu.memref_slice %arg16[%add3A_81, %dma_wait3A_84] : memref<10240x64xf32, #tpu.memory_space<vmem_shared>> -> memref<128x64xf32, #tpu.memory_space<vmem_shared>>
    tpu.wait_dma2 semaphore(%arg20 : memref<!tpu.dma_semaphore, #tpu.memory_space<semaphore_mem>>) src(%arg14 : memref<128x64xf32, #tpu.memory_space<vmem>>) dst(%dma_wait3A_85 : memref<128x64xf32, #tpu.memory_space<vmem_shared>>)
    %mul3A_86 = arith.constant 640 : i32
    %mul3A_87 = arith.muli %arg1, %mul3A_86 : i32
    %add3A_88 = arith.constant 384 : i32
    %add3A_89 = arith.addi %mul3A_87, %add3A_88 : i32
    %dma_wait3A_90 = arith.constant 0 : i32
    %dma_wait3A_91 = tpu.memref_slice %arg16[%add3A_89, %dma_wait3A_90] : memref<10240x64xf32, #tpu.memory_space<vmem_shared>> -> memref<128x64xf32, #tpu.memory_space<vmem_shared>>
    %dma_wait3A_92 = arith.constant 0 : i32
    %dma_wait3A_93 = tpu.memref_slice %arg16[%add3A_89, %dma_wait3A_92] : memref<10240x64xf32, #tpu.memory_space<vmem_shared>> -> memref<128x64xf32, #tpu.memory_space<vmem_shared>>
    tpu.wait_dma2 semaphore(%arg20 : memref<!tpu.dma_semaphore, #tpu.memory_space<semaphore_mem>>) src(%arg14 : memref<128x64xf32, #tpu.memory_space<vmem>>) dst(%dma_wait3A_93 : memref<128x64xf32, #tpu.memory_space<vmem_shared>>)
    %mul3A_94 = arith.constant 640 : i32
    %mul3A_95 = arith.muli %arg1, %mul3A_94 : i32
    %add3A_96 = arith.constant 512 : i32
    %add3A_97 = arith.addi %mul3A_95, %add3A_96 : i32
    %dma_wait3A_98 = arith.constant 0 : i32
    %dma_wait3A_99 = tpu.memref_slice %arg16[%add3A_97, %dma_wait3A_98] : memref<10240x64xf32, #tpu.memory_space<vmem_shared>> -> memref<128x64xf32, #tpu.memory_space<vmem_shared>>
    %dma_wait3A_100 = arith.constant 0 : i32
    %dma_wait3A_101 = tpu.memref_slice %arg16[%add3A_97, %dma_wait3A_100] : memref<10240x64xf32, #tpu.memory_space<vmem_shared>> -> memref<128x64xf32, #tpu.memory_space<vmem_shared>>
    tpu.wait_dma2 semaphore(%arg20 : memref<!tpu.dma_semaphore, #tpu.memory_space<semaphore_mem>>) src(%arg14 : memref<128x64xf32, #tpu.memory_space<vmem>>) dst(%dma_wait3A_101 : memref<128x64xf32, #tpu.memory_space<vmem_shared>>)
    %dma_wait3A_102 = arith.constant 0 : i32
    %dma_wait3A_103 = tpu.memref_slice %arg3[%dma_wait3A_102, %mul3A_8] : memref<2x320000xi32, #tpu.memory_space<hbm>> -> memref<1x20000xi32, #tpu.memory_space<hbm>>
    %dma_wait3A_104 = tpu.memref_squeeze %dma_wait3A_103 : memref<1x20000xi32, #tpu.memory_space<hbm>> -> memref<20000xi32, #tpu.memory_space<hbm>>
    %dma_wait3A_105 = tpu.memref_slice %arg3[%dma_wait3A_102, %mul3A_8] : memref<2x320000xi32, #tpu.memory_space<hbm>> -> memref<1x20000xi32, #tpu.memory_space<hbm>>
    %dma_wait3A_106 = tpu.memref_squeeze %dma_wait3A_105 : memref<1x20000xi32, #tpu.memory_space<hbm>> -> memref<20000xi32, #tpu.memory_space<hbm>>
    tpu.wait_dma2 semaphore(%arg17 : memref<!tpu.dma_semaphore, #tpu.memory_space<semaphore_mem>>) src(%dma_wait3A_106 : memref<20000xi32, #tpu.memory_space<hbm>>) dst(%arg6 : memref<20000xi32, #tpu.memory_space<vmem>>)
    %dma_wait3A_107 = arith.constant 1 : i32
    %dma_wait3A_108 = tpu.memref_slice %arg3[%dma_wait3A_107, %mul3A_8] : memref<2x320000xi32, #tpu.memory_space<hbm>> -> memref<1x20000xi32, #tpu.memory_space<hbm>>
    %dma_wait3A_109 = tpu.memref_squeeze %dma_wait3A_108 : memref<1x20000xi32, #tpu.memory_space<hbm>> -> memref<20000xi32, #tpu.memory_space<hbm>>
    %dma_wait3A_110 = tpu.memref_slice %arg3[%dma_wait3A_107, %mul3A_8] : memref<2x320000xi32, #tpu.memory_space<hbm>> -> memref<1x20000xi32, #tpu.memory_space<hbm>>
    %dma_wait3A_111 = tpu.memref_squeeze %dma_wait3A_110 : memref<1x20000xi32, #tpu.memory_space<hbm>> -> memref<20000xi32, #tpu.memory_space<hbm>>
    tpu.wait_dma2 semaphore(%arg18 : memref<!tpu.dma_semaphore, #tpu.memory_space<semaphore_mem>>) src(%dma_wait3A_111 : memref<20000xi32, #tpu.memory_space<hbm>>) dst(%arg7 : memref<20000xi32, #tpu.memory_space<vmem>>)
    %barrier3A = arith.constant 0 : index
    tpu.barrier barrier_id(%barrier3A)
    %get3A = arith.constant 0 : index
    %get3A_112 = tpu.vector_load %arg6[%get3A] {strides = array<i32>} : memref<20000xi32, #tpu.memory_space<vmem>>, vector<16xi32>,
    %add3A_113 = arith.addi %get3A_112, %get3A_112 : vector<16xi32>
    %add3A_114 = vector.broadcast %arg0 : i32 to vector<16xi32>
    %add3A_115 = arith.addi %add3A_113, %add3A_114 : vector<16xi32>
    %swap3A = arith.constant 0 : index
    %swap3A_116 = tpu.vector_load %arg8[%swap3A] {strides = array<i32>} : memref<128xi32, #tpu.memory_space<vmem>>, vector<16xi32>,
    tpu.vector_store %arg8[%swap3A], %add3A_115 {strides = array<i32>} : memref<128xi32, #tpu.memory_space<vmem>>, vector<16xi32>,
    %get3A_117 = arith.constant 16 : index
    %get3A_118 = tpu.vector_load %arg6[%get3A_117] {strides = array<i32>} : memref<20000xi32, #tpu.memory_space<vmem>>, vector<16xi32>,
    %add3A_119 = arith.addi %get3A_118, %get3A_118 : vector<16xi32>
    %add3A_120 = vector.broadcast %arg0 : i32 to vector<16xi32>
    %add3A_121 = arith.addi %add3A_119, %add3A_120 : vector<16xi32>
    %swap3A_122 = arith.constant 16 : index
    %swap3A_123 = tpu.vector_load %arg8[%swap3A_122] {strides = array<i32>} : memref<128xi32, #tpu.memory_space<vmem>>, vector<16xi32>,
    tpu.vector_store %arg8[%swap3A_122], %add3A_121 {strides = array<i32>} : memref<128xi32, #tpu.memory_space<vmem>>, vector<16xi32>,
    %get3A_124 = arith.constant 32 : index
    %get3A_125 = tpu.vector_load %arg6[%get3A_124] {strides = array<i32>} : memref<20000xi32, #tpu.memory_space<vmem>>, vector<16xi32>,
    %add3A_126 = arith.addi %get3A_125, %get3A_125 : vector<16xi32>
    %add3A_127 = vector.broadcast %arg0 : i32 to vector<16xi32>
    %add3A_128 = arith.addi %add3A_126, %add3A_127 : vector<16xi32>
    %swap3A_129 = arith.constant 32 : index
    %swap3A_130 = tpu.vector_load %arg8[%swap3A_129] {strides = array<i32>} : memref<128xi32, #tpu.memory_space<vmem>>, vector<16xi32>,
    tpu.vector_store %arg8[%swap3A_129], %add3A_128 {strides = array<i32>} : memref<128xi32, #tpu.memory_space<vmem>>, vector<16xi32>,
    %get3A_131 = arith.constant 48 : index
    %get3A_132 = tpu.vector_load %arg6[%get3A_131] {strides = array<i32>} : memref<20000xi32, #tpu.memory_space<vmem>>, vector<16xi32>,
    %add3A_133 = arith.addi %get3A_132, %get3A_132 : vector<16xi32>
    %add3A_134 = vector.broadcast %arg0 : i32 to vector<16xi32>
    %add3A_135 = arith.addi %add3A_133, %add3A_134 : vector<16xi32>
    %swap3A_136 = arith.constant 48 : index
    %swap3A_137 = tpu.vector_load %arg8[%swap3A_136] {strides = array<i32>} : memref<128xi32, #tpu.memory_space<vmem>>, vector<16xi32>,
    tpu.vector_store %arg8[%swap3A_136], %add3A_135 {strides = array<i32>} : memref<128xi32, #tpu.memory_space<vmem>>, vector<16xi32>,
    %get3A_138 = arith.constant 64 : index
    %get3A_139 = tpu.vector_load %arg6[%get3A_138] {strides = array<i32>} : memref<20000xi32, #tpu.memory_space<vmem>>, vector<16xi32>,
    %add3A_140 = arith.addi %get3A_139, %get3A_139 : vector<16xi32>
    %add3A_141 = vector.broadcast %arg0 : i32 to vector<16xi32>
    %add3A_142 = arith.addi %add3A_140, %add3A_141 : vector<16xi32>
    %swap3A_143 = arith.constant 64 : index
    %swap3A_144 = tpu.vector_load %arg8[%swap3A_143] {strides = array<i32>} : memref<128xi32, #tpu.memory_space<vmem>>, vector<16xi32>,
    tpu.vector_store %arg8[%swap3A_143], %add3A_142 {strides = array<i32>} : memref<128xi32, #tpu.memory_space<vmem>>, vector<16xi32>,
    %get3A_145 = arith.constant 80 : index
    %get3A_146 = tpu.vector_load %arg6[%get3A_145] {strides = array<i32>} : memref<20000xi32, #tpu.memory_space<vmem>>, vector<16xi32>,
    %add3A_147 = arith.addi %get3A_146, %get3A_146 : vector<16xi32>
    %add3A_148 = vector.broadcast %arg0 : i32 to vector<16xi32>
    %add3A_149 = arith.addi %add3A_147, %add3A_148 : vector<16xi32>
    %swap3A_150 = arith.constant 80 : index
    %swap3A_151 = tpu.vector_load %arg8[%swap3A_150] {strides = array<i32>} : memref<128xi32, #tpu.memory_space<vmem>>, vector<16xi32>,
    tpu.vector_store %arg8[%swap3A_150], %add3A_149 {strides = array<i32>} : memref<128xi32, #tpu.memory_space<vmem>>, vector<16xi32>,
    %get3A_152 = arith.constant 96 : index
    %get3A_153 = tpu.vector_load %arg6[%get3A_152] {strides = array<i32>} : memref<20000xi32, #tpu.memory_space<vmem>>, vector<16xi32>,
    %add3A_154 = arith.addi %get3A_153, %get3A_153 : vector<16xi32>
    %add3A_155 = vector.broadcast %arg0 : i32 to vector<16xi32>
    %add3A_156 = arith.addi %add3A_154, %add3A_155 : vector<16xi32>
    %swap3A_157 = arith.constant 96 : index
    %swap3A_158 = tpu.vector_load %arg8[%swap3A_157] {strides = array<i32>} : memref<128xi32, #tpu.memory_space<vmem>>, vector<16xi32>,
    tpu.vector_store %arg8[%swap3A_157], %add3A_156 {strides = array<i32>} : memref<128xi32, #tpu.memory_space<vmem>>, vector<16xi32>,
    %get3A_159 = arith.constant 112 : index
    %get3A_160 = tpu.vector_load %arg6[%get3A_159] {strides = array<i32>} : memref<20000xi32, #tpu.memory_space<vmem>>, vector<16xi32>,
    %add3A_161 = arith.addi %get3A_160, %get3A_160 : vector<16xi32>
    %add3A_162 = vector.broadcast %arg0 : i32 to vector<16xi32>
    %add3A_163 = arith.addi %add3A_161, %add3A_162 : vector<16xi32>
    %swap3A_164 = arith.constant 112 : index
    %swap3A_165 = tpu.vector_load %arg8[%swap3A_164] {strides = array<i32>} : memref<128xi32, #tpu.memory_space<vmem>>, vector<16xi32>,
    tpu.vector_store %arg8[%swap3A_164], %add3A_163 {strides = array<i32>} : memref<128xi32, #tpu.memory_space<vmem>>, vector<16xi32>,
    %dma_start3A_166 = arith.constant 0 : i32
    %dma_start3A_167 = arith.constant 0 : i32
    %dma_start3A_168 = tpu.memref_slice %arg2[%dma_start3A_166, %dma_start3A_167] : memref<20000x64xf32, #tpu.memory_space<hbm>> -> memref<20000x64xf32, #tpu.memory_space<hbm>>
    tpu.enqueue_indirect_dma source(%dma_start3A_168 : memref<20000x64xf32, #tpu.memory_space<hbm>>) target(%arg11 : memref<128x64xf32, #tpu.memory_space<vmem>>) offsets(%arg8 : memref<128xi32, #tpu.memory_space<vmem>>) semaphore(%arg17 : memref<!tpu.dma_semaphore, #tpu.memory_space<semaphore_mem>>)
    %get3A_169 = arith.constant 128 : index
    %get3A_170 = tpu.vector_load %arg6[%get3A_169] {strides = array<i32>} : memref<20000xi32, #tpu.memory_space<vmem>>, vector<16xi32>,
    %add3A_171 = arith.addi %get3A_170, %get3A_170 : vector<16xi32>
    %add3A_172 = vector.broadcast %arg0 : i32 to vector<16xi32>
    %add3A_173 = arith.addi %add3A_171, %add3A_172 : vector<16xi32>
    %swap3A_174 = arith.constant 0 : index
    %swap3A_175 = tpu.vector_load %arg9[%swap3A_174] {strides = array<i32>} : memref<128xi32, #tpu.memory_space<vmem>>, vector<16xi32>,
    tpu.vector_store %arg9[%swap3A_174], %add3A_173 {strides = array<i32>} : memref<128xi32, #tpu.memory_space<vmem>>, vector<16xi32>,
    %get3A_176 = arith.constant 144 : index
    %get3A_177 = tpu.vector_load %arg6[%get3A_176] {strides = array<i32>} : memref<20000xi32, #tpu.memory_space<vmem>>, vector<16xi32>,
    %add3A_178 = arith.addi %get3A_177, %get3A_177 : vector<16xi32>
    %add3A_179 = vector.broadcast %arg0 : i32 to vector<16xi32>
    %add3A_180 = arith.addi %add3A_178, %add3A_179 : vector<16xi32>
    %swap3A_181 = arith.constant 16 : index
    %swap3A_182 = tpu.vector_load %arg9[%swap3A_181] {strides = array<i32>} : memref<128xi32, #tpu.memory_space<vmem>>, vector<16xi32>,
    tpu.vector_store %arg9[%swap3A_181], %add3A_180 {strides = array<i32>} : memref<128xi32, #tpu.memory_space<vmem>>, vector<16xi32>,
    %get3A_183 = arith.constant 160 : index
    %get3A_184 = tpu.vector_load %arg6[%get3A_183] {strides = array<i32>} : memref<20000xi32, #tpu.memory_space<vmem>>, vector<16xi32>,
    %add3A_185 = arith.addi %get3A_184, %get3A_184 : vector<16xi32>
    %add3A_186 = vector.broadcast %arg0 : i32 to vector<16xi32>
    %add3A_187 = arith.addi %add3A_185, %add3A_186 : vector<16xi32>
    %swap3A_188 = arith.constant 32 : index
    %swap3A_189 = tpu.vector_load %arg9[%swap3A_188] {strides = array<i32>} : memref<128xi32, #tpu.memory_space<vmem>>, vector<16xi32>,
    tpu.vector_store %arg9[%swap3A_188], %add3A_187 {strides = array<i32>} : memref<128xi32, #tpu.memory_space<vmem>>, vector<16xi32>,
    %get3A_190 = arith.constant 176 : index
    %get3A_191 = tpu.vector_load %arg6[%get3A_190] {strides = array<i32>} : memref<20000xi32, #tpu.memory_space<vmem>>, vector<16xi32>,
    %add3A_192 = arith.addi %get3A_191, %get3A_191 : vector<16xi32>
    %add3A_193 = vector.broadcast %arg0 : i32 to vector<16xi32>
    %add3A_194 = arith.addi %add3A_192, %add3A_193 : vector<16xi32>
    %swap3A_195 = arith.constant 48 : index
    %swap3A_196 = tpu.vector_load %arg9[%swap3A_195] {strides = array<i32>} : memref<128xi32, #tpu.memory_space<vmem>>, vector<16xi32>,
    tpu.vector_store %arg9[%swap3A_195], %add3A_194 {strides = array<i32>} : memref<128xi32, #tpu.memory_space<vmem>>, vector<16xi32>,
    %get3A_197 = arith.constant 192 : index
    %get3A_198 = tpu.vector_load %arg6[%get3A_197] {strides = array<i32>} : memref<20000xi32, #tpu.memory_space<vmem>>, vector<16xi32>,
    %add3A_199 = arith.addi %get3A_198, %get3A_198 : vector<16xi32>
    %add3A_200 = vector.broadcast %arg0 : i32 to vector<16xi32>
    %add3A_201 = arith.addi %add3A_199, %add3A_200 : vector<16xi32>
    %swap3A_202 = arith.constant 64 : index
    %swap3A_203 = tpu.vector_load %arg9[%swap3A_202] {strides = array<i32>} : memref<128xi32, #tpu.memory_space<vmem>>, vector<16xi32>,
    tpu.vector_store %arg9[%swap3A_202], %add3A_201 {strides = array<i32>} : memref<128xi32, #tpu.memory_space<vmem>>, vector<16xi32>,
    %get3A_204 = arith.constant 208 : index
    %get3A_205 = tpu.vector_load %arg6[%get3A_204] {strides = array<i32>} : memref<20000xi32, #tpu.memory_space<vmem>>, vector<16xi32>,
    %add3A_206 = arith.addi %get3A_205, %get3A_205 : vector<16xi32>
    %add3A_207 = vector.broadcast %arg0 : i32 to vector<16xi32>
    %add3A_208 = arith.addi %add3A_206, %add3A_207 : vector<16xi32>
    %swap3A_209 = arith.constant 80 : index
    %swap3A_210 = tpu.vector_load %arg9[%swap3A_209] {strides = array<i32>} : memref<128xi32, #tpu.memory_space<vmem>>, vector<16xi32>,
    tpu.vector_store %arg9[%swap3A_209], %add3A_208 {strides = array<i32>} : memref<128xi32, #tpu.memory_space<vmem>>, vector<16xi32>,
    %get3A_211 = arith.constant 224 : index
    %get3A_212 = tpu.vector_load %arg6[%get3A_211] {strides = array<i32>} : memref<20000xi32, #tpu.memory_space<vmem>>, vector<16xi32>,
    %add3A_213 = arith.addi %get3A_212, %get3A_212 : vector<16xi32>
    %add3A_214 = vector.broadcast %arg0 : i32 to vector<16xi32>
    %add3A_215 = arith.addi %add3A_213, %add3A_214 : vector<16xi32>
    %swap3A_216 = arith.constant 96 : index
    %swap3A_217 = tpu.vector_load %arg9[%swap3A_216] {strides = array<i32>} : memref<128xi32, #tpu.memory_space<vmem>>, vector<16xi32>,
    tpu.vector_store %arg9[%swap3A_216], %add3A_215 {strides = array<i32>} : memref<128xi32, #tpu.memory_space<vmem>>, vector<16xi32>,
    %get3A_218 = arith.constant 240 : index
    %get3A_219 = tpu.vector_load %arg6[%get3A_218] {strides = array<i32>} : memref<20000xi32, #tpu.memory_space<vmem>>, vector<16xi32>,
    %add3A_220 = arith.addi %get3A_219, %get3A_219 : vector<16xi32>
    %add3A_221 = vector.broadcast %arg0 : i32 to vector<16xi32>
    %add3A_222 = arith.addi %add3A_220, %add3A_221 : vector<16xi32>
    %swap3A_223 = arith.constant 112 : index
    %swap3A_224 = tpu.vector_load %arg9[%swap3A_223] {strides = array<i32>} : memref<128xi32, #tpu.memory_space<vmem>>, vector<16xi32>,
    tpu.vector_store %arg9[%swap3A_223], %add3A_222 {strides = array<i32>} : memref<128xi32, #tpu.memory_space<vmem>>, vector<16xi32>,
    %dma_start3A_225 = arith.constant 0 : i32
    %dma_start3A_226 = arith.constant 0 : i32
    %dma_start3A_227 = tpu.memref_slice %arg2[%dma_start3A_225, %dma_start3A_226] : memref<20000x64xf32, #tpu.memory_space<hbm>> -> memref<20000x64xf32, #tpu.memory_space<hbm>>
    tpu.enqueue_indirect_dma source(%dma_start3A_227 : memref<20000x64xf32, #tpu.memory_space<hbm>>) target(%arg12 : memref<128x64xf32, #tpu.memory_space<vmem>>) offsets(%arg9 : memref<128xi32, #tpu.memory_space<vmem>>) semaphore(%arg18 : memref<!tpu.dma_semaphore, #tpu.memory_space<semaphore_mem>>)
    %scan3A_228 = arith.constant 0 : i32
    %scan3A_229 = arith.constant 0 : i32
    %scan3A_230 = arith.constant 52 : i32
    %scan3A_231 = arith.addi %scan3A_229, %scan3A_230 : i32
    %scan3A_232 = arith.constant 1 : i32
    scf.for %scan3A_262 = %scan3A_229 to %scan3A_231 step %scan3A_232  : i32 {
      %mul3A_263 = arith.constant 3 : i32
      %mul3A_264 = arith.muli %mul3A_263, %scan3A_262 : i32
      %add3A_265 = arith.constant 0 : i32
      %add3A_266 = arith.addi %mul3A_264, %add3A_265 : i32
      %dma_wait3A_267 = arith.constant 0 : i32
      %dma_wait3A_268 = arith.constant 0 : i32
      %dma_wait3A_269 = tpu.memref_slice %arg2[%dma_wait3A_267, %dma_wait3A_268] : memref<20000x64xf32, #tpu.memory_space<hbm>> -> memref<128x64xf32, #tpu.memory_space<hbm>>
      %dma_wait3A_270 = arith.constant 0 : i32
      %dma_wait3A_271 = arith.constant 0 : i32
      %dma_wait3A_272 = tpu.memref_slice %arg2[%dma_wait3A_270, %dma_wait3A_271] : memref<20000x64xf32, #tpu.memory_space<hbm>> -> memref<128x64xf32, #tpu.memory_space<hbm>>
      tpu.wait_dma2 semaphore(%arg17 : memref<!tpu.dma_semaphore, #tpu.memory_space<semaphore_mem>>) src(%dma_wait3A_272 : memref<128x64xf32, #tpu.memory_space<hbm>>) dst(%arg11 : memref<128x64xf32, #tpu.memory_space<vmem>>)
      %gt3A = arith.constant 0 : i32
      %gt3A_273 = arith.cmpi sgt, %add3A_266, %gt3A : i32
      %convert_element_type3A_274 = arith.extui %gt3A_273 : i1 to i32
      %cond3A_275 = arith.constant 0 : i32
      %cond3A_276 = arith.cmpi ne, %convert_element_type3A_274, %cond3A_275 : i32
      scf.if %cond3A_276 {
        %sub3A_494 = arith.constant 1 : i32
        %sub3A_495 = arith.subi %add3A_266, %sub3A_494 : i32
        %mul3A_496 = arith.constant 128 : i32
        %mul3A_497 = arith.muli %sub3A_495, %mul3A_496 : i32
        %dma_wait3A_498 = tpu.memref_slice %arg7[%mul3A_497] : memref<20000xi32, #tpu.memory_space<vmem>> -> memref<128xi32, #tpu.memory_space<vmem>>
        %dma_wait3A_499 = arith.constant 0 : i32
        %dma_wait3A_500 = arith.constant 0 : i32
        %dma_wait3A_501 = tpu.memref_slice %arg16[%dma_wait3A_499, %dma_wait3A_500] : memref<10240x64xf32, #tpu.memory_space<vmem_shared>> -> memref<10240x64xf32, #tpu.memory_space<vmem_shared>>
        tpu.wait_indirect_dma semaphore(%arg22 : memref<!tpu.dma_semaphore, #tpu.memory_space<semaphore_mem>>) src(%arg13 : memref<128x64xf32, #tpu.memory_space<vmem>>) dst(%dma_wait3A_501 : memref<10240x64xf32, #tpu.memory_space<vmem_shared>>)
      } else {
      }
      %add3A_277 = arith.constant 3 : i32
      %add3A_278 = arith.addi %add3A_266, %add3A_277 : i32
      %sub3A = arith.constant 1 : i32
      %sub3A_279 = arith.subi %add3A_278, %sub3A : i32
      %lt3A = arith.constant 156 : i32
      %lt3A_280 = arith.cmpi slt, %sub3A_279, %lt3A : i32
      %convert_element_type3A_281 = arith.extui %lt3A_280 : i1 to i32
      %cond3A_282 = arith.constant 0 : i32
      %cond3A_283 = arith.cmpi ne, %convert_element_type3A_281, %cond3A_282 : i32
      scf.if %cond3A_283 {
        %add3A_494 = arith.constant 3 : i32
        %add3A_495 = arith.addi %add3A_266, %add3A_494 : i32
        %sub3A_496 = arith.constant 1 : i32
        %sub3A_497 = arith.subi %add3A_495, %sub3A_496 : i32
        %mul3A_498 = arith.constant 128 : i32
        %mul3A_499 = arith.muli %sub3A_497, %mul3A_498 : i32
        %add3A_500 = arith.constant 0 : i32
        %add3A_501 = arith.addi %mul3A_499, %add3A_500 : i32
        %get3A_502 = arith.index_cast %add3A_501 : i32 to index
        %get3A_503 = tpu.vector_load %arg6[%get3A_502] {strides = array<i32>} : memref<20000xi32, #tpu.memory_space<vmem>>, vector<16xi32>,
        %add3A_504 = arith.addi %get3A_503, %get3A_503 : vector<16xi32>
        %add3A_505 = vector.broadcast %arg0 : i32 to vector<16xi32>
        %add3A_506 = arith.addi %add3A_504, %add3A_505 : vector<16xi32>
        %swap3A_507 = arith.constant 0 : index
        %swap3A_508 = tpu.vector_load %arg10[%swap3A_507] {strides = array<i32>} : memref<128xi32, #tpu.memory_space<vmem>>, vector<16xi32>,
        tpu.vector_store %arg10[%swap3A_507], %add3A_506 {strides = array<i32>} : memref<128xi32, #tpu.memory_space<vmem>>, vector<16xi32>,
        %mul3A_509 = arith.constant 128 : i32
        %mul3A_510 = arith.muli %sub3A_497, %mul3A_509 : i32
        %add3A_511 = arith.constant 16 : i32
        %add3A_512 = arith.addi %mul3A_510, %add3A_511 : i32
        %get3A_513 = arith.index_cast %add3A_512 : i32 to index
        %get3A_514 = tpu.vector_load %arg6[%get3A_513] {strides = array<i32>} : memref<20000xi32, #tpu.memory_space<vmem>>, vector<16xi32>,
        %add3A_515 = arith.addi %get3A_514, %get3A_514 : vector<16xi32>
        %add3A_516 = vector.broadcast %arg0 : i32 to vector<16xi32>
        %add3A_517 = arith.addi %add3A_515, %add3A_516 : vector<16xi32>
        %swap3A_518 = arith.constant 16 : index
        %swap3A_519 = tpu.vector_load %arg10[%swap3A_518] {strides = array<i32>} : memref<128xi32, #tpu.memory_space<vmem>>, vector<16xi32>,
        tpu.vector_store %arg10[%swap3A_518], %add3A_517 {strides = array<i32>} : memref<128xi32, #tpu.memory_space<vmem>>, vector<16xi32>,
        %mul3A_520 = arith.constant 128 : i32
        %mul3A_521 = arith.muli %sub3A_497, %mul3A_520 : i32
        %add3A_522 = arith.constant 32 : i32
        %add3A_523 = arith.addi %mul3A_521, %add3A_522 : i32
        %get3A_524 = arith.index_cast %add3A_523 : i32 to index
        %get3A_525 = tpu.vector_load %arg6[%get3A_524] {strides = array<i32>} : memref<20000xi32, #tpu.memory_space<vmem>>, vector<16xi32>,
        %add3A_526 = arith.addi %get3A_525, %get3A_525 : vector<16xi32>
        %add3A_527 = vector.broadcast %arg0 : i32 to vector<16xi32>
        %add3A_528 = arith.addi %add3A_526, %add3A_527 : vector<16xi32>
        %swap3A_529 = arith.constant 32 : index
        %swap3A_530 = tpu.vector_load %arg10[%swap3A_529] {strides = array<i32>} : memref<128xi32, #tpu.memory_space<vmem>>, vector<16xi32>,
        tpu.vector_store %arg10[%swap3A_529], %add3A_528 {strides = array<i32>} : memref<128xi32, #tpu.memory_space<vmem>>, vector<16xi32>,
        %mul3A_531 = arith.constant 128 : i32
        %mul3A_532 = arith.muli %sub3A_497, %mul3A_531 : i32
        %add3A_533 = arith.constant 48 : i32
        %add3A_534 = arith.addi %mul3A_532, %add3A_533 : i32
        %get3A_535 = arith.index_cast %add3A_534 : i32 to index
        %get3A_536 = tpu.vector_load %arg6[%get3A_535] {strides = array<i32>} : memref<20000xi32, #tpu.memory_space<vmem>>, vector<16xi32>,
        %add3A_537 = arith.addi %get3A_536, %get3A_536 : vector<16xi32>
        %add3A_538 = vector.broadcast %arg0 : i32 to vector<16xi32>
        %add3A_539 = arith.addi %add3A_537, %add3A_538 : vector<16xi32>
        %swap3A_540 = arith.constant 48 : index
        %swap3A_541 = tpu.vector_load %arg10[%swap3A_540] {strides = array<i32>} : memref<128xi32, #tpu.memory_space<vmem>>, vector<16xi32>,
        tpu.vector_store %arg10[%swap3A_540], %add3A_539 {strides = array<i32>} : memref<128xi32, #tpu.memory_space<vmem>>, vector<16xi32>,
        %mul3A_542 = arith.constant 128 : i32
        %mul3A_543 = arith.muli %sub3A_497, %mul3A_542 : i32
        %add3A_544 = arith.constant 64 : i32
        %add3A_545 = arith.addi %mul3A_543, %add3A_544 : i32
        %get3A_546 = arith.index_cast %add3A_545 : i32 to index
        %get3A_547 = tpu.vector_load %arg6[%get3A_546] {strides = array<i32>} : memref<20000xi32, #tpu.memory_space<vmem>>, vector<16xi32>,
        %add3A_548 = arith.addi %get3A_547, %get3A_547 : vector<16xi32>
        %add3A_549 = vector.broadcast %arg0 : i32 to vector<16xi32>
        %add3A_550 = arith.addi %add3A_548, %add3A_549 : vector<16xi32>
        %swap3A_551 = arith.constant 64 : index
        %swap3A_552 = tpu.vector_load %arg10[%swap3A_551] {strides = array<i32>} : memref<128xi32, #tpu.memory_space<vmem>>, vector<16xi32>,
        tpu.vector_store %arg10[%swap3A_551], %add3A_550 {strides = array<i32>} : memref<128xi32, #tpu.memory_space<vmem>>, vector<16xi32>,
        %mul3A_553 = arith.constant 128 : i32
        %mul3A_554 = arith.muli %sub3A_497, %mul3A_553 : i32
        %add3A_555 = arith.constant 80 : i32
        %add3A_556 = arith.addi %mul3A_554, %add3A_555 : i32
        %get3A_557 = arith.index_cast %add3A_556 : i32 to index
        %get3A_558 = tpu.vector_load %arg6[%get3A_557] {strides = array<i32>} : memref<20000xi32, #tpu.memory_space<vmem>>, vector<16xi32>,
        %add3A_559 = arith.addi %get3A_558, %get3A_558 : vector<16xi32>
        %add3A_560 = vector.broadcast %arg0 : i32 to vector<16xi32>
        %add3A_561 = arith.addi %add3A_559, %add3A_560 : vector<16xi32>
        %swap3A_562 = arith.constant 80 : index
        %swap3A_563 = tpu.vector_load %arg10[%swap3A_562] {strides = array<i32>} : memref<128xi32, #tpu.memory_space<vmem>>, vector<16xi32>,
        tpu.vector_store %arg10[%swap3A_562], %add3A_561 {strides = array<i32>} : memref<128xi32, #tpu.memory_space<vmem>>, vector<16xi32>,
        %mul3A_564 = arith.constant 128 : i32
        %mul3A_565 = arith.muli %sub3A_497, %mul3A_564 : i32
        %add3A_566 = arith.constant 96 : i32
        %add3A_567 = arith.addi %mul3A_565, %add3A_566 : i32
        %get3A_568 = arith.index_cast %add3A_567 : i32 to index
        %get3A_569 = tpu.vector_load %arg6[%get3A_568] {strides = array<i32>} : memref<20000xi32, #tpu.memory_space<vmem>>, vector<16xi32>,
        %add3A_570 = arith.addi %get3A_569, %get3A_569 : vector<16xi32>
        %add3A_571 = vector.broadcast %arg0 : i32 to vector<16xi32>
        %add3A_572 = arith.addi %add3A_570, %add3A_571 : vector<16xi32>
        %swap3A_573 = arith.constant 96 : index
        %swap3A_574 = tpu.vector_load %arg10[%swap3A_573] {strides = array<i32>} : memref<128xi32, #tpu.memory_space<vmem>>, vector<16xi32>,
        tpu.vector_store %arg10[%swap3A_573], %add3A_572 {strides = array<i32>} : memref<128xi32, #tpu.memory_space<vmem>>, vector<16xi32>,
        %mul3A_575 = arith.constant 128 : i32
        %mul3A_576 = arith.muli %sub3A_497, %mul3A_575 : i32
        %add3A_577 = arith.constant 112 : i32
        %add3A_578 = arith.addi %mul3A_576, %add3A_577 : i32
        %get3A_579 = arith.index_cast %add3A_578 : i32 to index
        %get3A_580 = tpu.vector_load %arg6[%get3A_579] {strides = array<i32>} : memref<20000xi32, #tpu.memory_space<vmem>>, vector<16xi32>,
        %add3A_581 = arith.addi %get3A_580, %get3A_580 : vector<16xi32>
        %add3A_582 = vector.broadcast %arg0 : i32 to vector<16xi32>
        %add3A_583 = arith.addi %add3A_581, %add3A_582 : vector<16xi32>
        %swap3A_584 = arith.constant 112 : index
        %swap3A_585 = tpu.vector_load %arg10[%swap3A_584] {strides = array<i32>} : memref<128xi32, #tpu.memory_space<vmem>>, vector<16xi32>,
        tpu.vector_store %arg10[%swap3A_584], %add3A_583 {strides = array<i32>} : memref<128xi32, #tpu.memory_space<vmem>>, vector<16xi32>,
        %dma_start3A_586 = arith.constant 0 : i32
        %dma_start3A_587 = arith.constant 0 : i32
        %dma_start3A_588 = tpu.memref_slice %arg2[%dma_start3A_586, %dma_start3A_587] : memref<20000x64xf32, #tpu.memory_space<hbm>> -> memref<20000x64xf32, #tpu.memory_space<hbm>>
        tpu.enqueue_indirect_dma source(%dma_start3A_588 : memref<20000x64xf32, #tpu.memory_space<hbm>>) target(%arg13 : memref<128x64xf32, #tpu.memory_space<vmem>>) offsets(%arg10 : memref<128xi32, #tpu.memory_space<vmem>>) semaphore(%arg19 : memref<!tpu.dma_semaphore, #tpu.memory_space<semaphore_mem>>)
      } else {
      }
      %mul3A_284 = arith.constant 128 : i32
      %mul3A_285 = arith.muli %add3A_266, %mul3A_284 : i32
      %dma_start3A_286 = tpu.memref_slice %arg7[%mul3A_285] : memref<20000xi32, #tpu.memory_space<vmem>> -> memref<128xi32, #tpu.memory_space<vmem>>
      %dma_start3A_287 = arith.constant 0 : i32
      %dma_start3A_288 = arith.constant 0 : i32
      %dma_start3A_289 = tpu.memref_slice %arg16[%dma_start3A_287, %dma_start3A_288] : memref<10240x64xf32, #tpu.memory_space<vmem_shared>> -> memref<10240x64xf32, #tpu.memory_space<vmem_shared>>
      tpu.enqueue_indirect_dma source(%arg11 : memref<128x64xf32, #tpu.memory_space<vmem>>) target(%dma_start3A_289 : memref<10240x64xf32, #tpu.memory_space<vmem_shared>>) offsets(%dma_start3A_286 : memref<128xi32, #tpu.memory_space<vmem>>) semaphore(%arg20 : memref<!tpu.dma_semaphore, #tpu.memory_space<semaphore_mem>>) {add = true}
      %mul3A_290 = arith.constant 128 : i32
      %mul3A_291 = arith.muli %add3A_266, %mul3A_290 : i32
      %add3A_292 = arith.constant 0 : i32
      %add3A_293 = arith.addi %mul3A_291, %add3A_292 : i32
      %get3A_294 = arith.index_cast %add3A_293 : i32 to index
      %get3A_295 = tpu.vector_load %arg7[%get3A_294] {strides = array<i32>} : memref<20000xi32, #tpu.memory_space<vmem>>, vector<16xi32>,
      tpu.vector_store_idx %arg15[%get3A_295], %broadcast_in_dim3A_2 {add = true} : memref<10240xf32, #tpu.memory_space<vmem>>[vector<16xi32>], vector<16xf32>,
      %mul3A_296 = arith.constant 128 : i32
      %mul3A_297 = arith.muli %add3A_266, %mul3A_296 : i32
      %add3A_298 = arith.constant 16 : i32
      %add3A_299 = arith.addi %mul3A_297, %add3A_298 : i32
      %get3A_300 = arith.index_cast %add3A_299 : i32 to index
      %get3A_301 = tpu.vector_load %arg7[%get3A_300] {strides = array<i32>} : memref<20000xi32, #tpu.memory_space<vmem>>, vector<16xi32>,
      tpu.vector_store_idx %arg15[%get3A_301], %broadcast_in_dim3A_2 {add = true} : memref<10240xf32, #tpu.memory_space<vmem>>[vector<16xi32>], vector<16xf32>,
      %mul3A_302 = arith.constant 128 : i32
      %mul3A_303 = arith.muli %add3A_266, %mul3A_302 : i32
      %add3A_304 = arith.constant 32 : i32
      %add3A_305 = arith.addi %mul3A_303, %add3A_304 : i32
      %get3A_306 = arith.index_cast %add3A_305 : i32 to index
      %get3A_307 = tpu.vector_load %arg7[%get3A_306] {strides = array<i32>} : memref<20000xi32, #tpu.memory_space<vmem>>, vector<16xi32>,
      tpu.vector_store_idx %arg15[%get3A_307], %broadcast_in_dim3A_2 {add = true} : memref<10240xf32, #tpu.memory_space<vmem>>[vector<16xi32>], vector<16xf32>,
      %mul3A_308 = arith.constant 128 : i32
      %mul3A_309 = arith.muli %add3A_266, %mul3A_308 : i32
      %add3A_310 = arith.constant 48 : i32
      %add3A_311 = arith.addi %mul3A_309, %add3A_310 : i32
      %get3A_312 = arith.index_cast %add3A_311 : i32 to index
      %get3A_313 = tpu.vector_load %arg7[%get3A_312] {strides = array<i32>} : memref<20000xi32, #tpu.memory_space<vmem>>, vector<16xi32>,
      tpu.vector_store_idx %arg15[%get3A_313], %broadcast_in_dim3A_2 {add = true} : memref<10240xf32, #tpu.memory_space<vmem>>[vector<16xi32>], vector<16xf32>,
      %mul3A_314 = arith.constant 128 : i32
      %mul3A_315 = arith.muli %add3A_266, %mul3A_314 : i32
      %add3A_316 = arith.constant 64 : i32
      %add3A_317 = arith.addi %mul3A_315, %add3A_316 : i32
      %get3A_318 = arith.index_cast %add3A_317 : i32 to index
      %get3A_319 = tpu.vector_load %arg7[%get3A_318] {strides = array<i32>} : memref<20000xi32, #tpu.memory_space<vmem>>, vector<16xi32>,
      tpu.vector_store_idx %arg15[%get3A_319], %broadcast_in_dim3A_2 {add = true} : memref<10240xf32, #tpu.memory_space<vmem>>[vector<16xi32>], vector<16xf32>,
      %mul3A_320 = arith.constant 128 : i32
      %mul3A_321 = arith.muli %add3A_266, %mul3A_320 : i32
      %add3A_322 = arith.constant 80 : i32
      %add3A_323 = arith.addi %mul3A_321, %add3A_322 : i32
      %get3A_324 = arith.index_cast %add3A_323 : i32 to index
      %get3A_325 = tpu.vector_load %arg7[%get3A_324] {strides = array<i32>} : memref<20000xi32, #tpu.memory_space<vmem>>, vector<16xi32>,
      tpu.vector_store_idx %arg15[%get3A_325], %broadcast_in_dim3A_2 {add = true} : memref<10240xf32, #tpu.memory_space<vmem>>[vector<16xi32>], vector<16xf32>,
      %mul3A_326 = arith.constant 128 : i32
      %mul3A_327 = arith.muli %add3A_266, %mul3A_326 : i32
      %add3A_328 = arith.constant 96 : i32
      %add3A_329 = arith.addi %mul3A_327, %add3A_328 : i32
      %get3A_330 = arith.index_cast %add3A_329 : i32 to index
      %get3A_331 = tpu.vector_load %arg7[%get3A_330] {strides = array<i32>} : memref<20000xi32, #tpu.memory_space<vmem>>, vector<16xi32>,
      tpu.vector_store_idx %arg15[%get3A_331], %broadcast_in_dim3A_2 {add = true} : memref<10240xf32, #tpu.memory_space<vmem>>[vector<16xi32>], vector<16xf32>,
      %mul3A_332 = arith.constant 128 : i32
      %mul3A_333 = arith.muli %add3A_266, %mul3A_332 : i32
      %add3A_334 = arith.constant 112 : i32
      %add3A_335 = arith.addi %mul3A_333, %add3A_334 : i32
      %get3A_336 = arith.index_cast %add3A_335 : i32 to index
      %get3A_337 = tpu.vector_load %arg7[%get3A_336] {strides = array<i32>} : memref<20000xi32, #tpu.memory_space<vmem>>, vector<16xi32>,
      tpu.vector_store_idx %arg15[%get3A_337], %broadcast_in_dim3A_2 {add = true} : memref<10240xf32, #tpu.memory_space<vmem>>[vector<16xi32>], vector<16xf32>,
      %mul3A_338 = arith.constant 3 : i32
      %mul3A_339 = arith.muli %mul3A_338, %scan3A_262 : i32
      %add3A_340 = arith.constant 1 : i32
      %add3A_341 = arith.addi %mul3A_339, %add3A_340 : i32
      %dma_wait3A_342 = arith.constant 0 : i32
      %dma_wait3A_343 = arith.constant 0 : i32
      %dma_wait3A_344 = tpu.memref_slice %arg2[%dma_wait3A_342, %dma_wait3A_343] : memref<20000x64xf32, #tpu.memory_space<hbm>> -> memref<128x64xf32, #tpu.memory_space<hbm>>
      %dma_wait3A_345 = arith.constant 0 : i32
      %dma_wait3A_346 = arith.constant 0 : i32
      %dma_wait3A_347 = tpu.memref_slice %arg2[%dma_wait3A_345, %dma_wait3A_346] : memref<20000x64xf32, #tpu.memory_space<hbm>> -> memref<128x64xf32, #tpu.memory_space<hbm>>
      tpu.wait_dma2 semaphore(%arg18 : memref<!tpu.dma_semaphore, #tpu.memory_space<semaphore_mem>>) src(%dma_wait3A_347 : memref<128x64xf32, #tpu.memory_space<hbm>>) dst(%arg12 : memref<128x64xf32, #tpu.memory_space<vmem>>)
      %gt3A_348 = arith.constant 0 : i32
      %gt3A_349 = arith.cmpi sgt, %add3A_341, %gt3A_348 : i32
      %convert_element_type3A_350 = arith.extui %gt3A_349 : i1 to i32
      %cond3A_351 = arith.constant 0 : i32
      %cond3A_352 = arith.cmpi ne, %convert_element_type3A_350, %cond3A_351 : i32
      scf.if %cond3A_352 {
        %sub3A_494 = arith.constant 1 : i32
        %sub3A_495 = arith.subi %add3A_341, %sub3A_494 : i32
        %mul3A_496 = arith.constant 128 : i32
        %mul3A_497 = arith.muli %sub3A_495, %mul3A_496 : i32
        %dma_wait3A_498 = tpu.memref_slice %arg7[%mul3A_497] : memref<20000xi32, #tpu.memory_space<vmem>> -> memref<128xi32, #tpu.memory_space<vmem>>
        %dma_wait3A_499 = arith.constant 0 : i32
        %dma_wait3A_500 = arith.constant 0 : i32
        %dma_wait3A_501 = tpu.memref_slice %arg16[%dma_wait3A_499, %dma_wait3A_500] : memref<10240x64xf32, #tpu.memory_space<vmem_shared>> -> memref<10240x64xf32, #tpu.memory_space<vmem_shared>>
        tpu.wait_indirect_dma semaphore(%arg20 : memref<!tpu.dma_semaphore, #tpu.memory_space<semaphore_mem>>) src(%arg11 : memref<128x64xf32, #tpu.memory_space<vmem>>) dst(%dma_wait3A_501 : memref<10240x64xf32, #tpu.memory_space<vmem_shared>>)
      } else {
      }
      %add3A_353 = arith.constant 3 : i32
      %add3A_354 = arith.addi %add3A_341, %add3A_353 : i32
      %sub3A_355 = arith.constant 1 : i32
      %sub3A_356 = arith.subi %add3A_354, %sub3A_355 : i32
      %lt3A_357 = arith.constant 156 : i32
      %lt3A_358 = arith.cmpi slt, %sub3A_356, %lt3A_357 : i32
      %convert_element_type3A_359 = arith.extui %lt3A_358 : i1 to i32
      %cond3A_360 = arith.constant 0 : i32
      %cond3A_361 = arith.cmpi ne, %convert_element_type3A_359, %cond3A_360 : i32
      scf.if %cond3A_361 {
        %add3A_494 = arith.constant 3 : i32
        %add3A_495 = arith.addi %add3A_341, %add3A_494 : i32
        %sub3A_496 = arith.constant 1 : i32
        %sub3A_497 = arith.subi %add3A_495, %sub3A_496 : i32
        %mul3A_498 = arith.constant 128 : i32
        %mul3A_499 = arith.muli %sub3A_497, %mul3A_498 : i32
        %add3A_500 = arith.constant 0 : i32
        %add3A_501 = arith.addi %mul3A_499, %add3A_500 : i32
        %get3A_502 = arith.index_cast %add3A_501 : i32 to index
        %get3A_503 = tpu.vector_load %arg6[%get3A_502] {strides = array<i32>} : memref<20000xi32, #tpu.memory_space<vmem>>, vector<16xi32>,
        %add3A_504 = arith.addi %get3A_503, %get3A_503 : vector<16xi32>
        %add3A_505 = vector.broadcast %arg0 : i32 to vector<16xi32>
        %add3A_506 = arith.addi %add3A_504, %add3A_505 : vector<16xi32>
        %swap3A_507 = arith.constant 0 : index
        %swap3A_508 = tpu.vector_load %arg8[%swap3A_507] {strides = array<i32>} : memref<128xi32, #tpu.memory_space<vmem>>, vector<16xi32>,
        tpu.vector_store %arg8[%swap3A_507], %add3A_506 {strides = array<i32>} : memref<128xi32, #tpu.memory_space<vmem>>, vector<16xi32>,
        %mul3A_509 = arith.constant 128 : i32
        %mul3A_510 = arith.muli %sub3A_497, %mul3A_509 : i32
        %add3A_511 = arith.constant 16 : i32
        %add3A_512 = arith.addi %mul3A_510, %add3A_511 : i32
        %get3A_513 = arith.index_cast %add3A_512 : i32 to index
        %get3A_514 = tpu.vector_load %arg6[%get3A_513] {strides = array<i32>} : memref<20000xi32, #tpu.memory_space<vmem>>, vector<16xi32>,
        %add3A_515 = arith.addi %get3A_514, %get3A_514 : vector<16xi32>
        %add3A_516 = vector.broadcast %arg0 : i32 to vector<16xi32>
        %add3A_517 = arith.addi %add3A_515, %add3A_516 : vector<16xi32>
        %swap3A_518 = arith.constant 16 : index
        %swap3A_519 = tpu.vector_load %arg8[%swap3A_518] {strides = array<i32>} : memref<128xi32, #tpu.memory_space<vmem>>, vector<16xi32>,
        tpu.vector_store %arg8[%swap3A_518], %add3A_517 {strides = array<i32>} : memref<128xi32, #tpu.memory_space<vmem>>, vector<16xi32>,
        %mul3A_520 = arith.constant 128 : i32
        %mul3A_521 = arith.muli %sub3A_497, %mul3A_520 : i32
        %add3A_522 = arith.constant 32 : i32
        %add3A_523 = arith.addi %mul3A_521, %add3A_522 : i32
        %get3A_524 = arith.index_cast %add3A_523 : i32 to index
        %get3A_525 = tpu.vector_load %arg6[%get3A_524] {strides = array<i32>} : memref<20000xi32, #tpu.memory_space<vmem>>, vector<16xi32>,
        %add3A_526 = arith.addi %get3A_525, %get3A_525 : vector<16xi32>
        %add3A_527 = vector.broadcast %arg0 : i32 to vector<16xi32>
        %add3A_528 = arith.addi %add3A_526, %add3A_527 : vector<16xi32>
        %swap3A_529 = arith.constant 32 : index
        %swap3A_530 = tpu.vector_load %arg8[%swap3A_529] {strides = array<i32>} : memref<128xi32, #tpu.memory_space<vmem>>, vector<16xi32>,
        tpu.vector_store %arg8[%swap3A_529], %add3A_528 {strides = array<i32>} : memref<128xi32, #tpu.memory_space<vmem>>, vector<16xi32>,
        %mul3A_531 = arith.constant 128 : i32
        %mul3A_532 = arith.muli %sub3A_497, %mul3A_531 : i32
        %add3A_533 = arith.constant 48 : i32
        %add3A_534 = arith.addi %mul3A_532, %add3A_533 : i32
        %get3A_535 = arith.index_cast %add3A_534 : i32 to index
        %get3A_536 = tpu.vector_load %arg6[%get3A_535] {strides = array<i32>} : memref<20000xi32, #tpu.memory_space<vmem>>, vector<16xi32>,
        %add3A_537 = arith.addi %get3A_536, %get3A_536 : vector<16xi32>
        %add3A_538 = vector.broadcast %arg0 : i32 to vector<16xi32>
        %add3A_539 = arith.addi %add3A_537, %add3A_538 : vector<16xi32>
        %swap3A_540 = arith.constant 48 : index
        %swap3A_541 = tpu.vector_load %arg8[%swap3A_540] {strides = array<i32>} : memref<128xi32, #tpu.memory_space<vmem>>, vector<16xi32>,
        tpu.vector_store %arg8[%swap3A_540], %add3A_539 {strides = array<i32>} : memref<128xi32, #tpu.memory_space<vmem>>, vector<16xi32>,
        %mul3A_542 = arith.constant 128 : i32
        %mul3A_543 = arith.muli %sub3A_497, %mul3A_542 : i32
        %add3A_544 = arith.constant 64 : i32
        %add3A_545 = arith.addi %mul3A_543, %add3A_544 : i32
        %get3A_546 = arith.index_cast %add3A_545 : i32 to index
        %get3A_547 = tpu.vector_load %arg6[%get3A_546] {strides = array<i32>} : memref<20000xi32, #tpu.memory_space<vmem>>, vector<16xi32>,
        %add3A_548 = arith.addi %get3A_547, %get3A_547 : vector<16xi32>
        %add3A_549 = vector.broadcast %arg0 : i32 to vector<16xi32>
        %add3A_550 = arith.addi %add3A_548, %add3A_549 : vector<16xi32>
        %swap3A_551 = arith.constant 64 : index
        %swap3A_552 = tpu.vector_load %arg8[%swap3A_551] {strides = array<i32>} : memref<128xi32, #tpu.memory_space<vmem>>, vector<16xi32>,
        tpu.vector_store %arg8[%swap3A_551], %add3A_550 {strides = array<i32>} : memref<128xi32, #tpu.memory_space<vmem>>, vector<16xi32>,
        %mul3A_553 = arith.constant 128 : i32
        %mul3A_554 = arith.muli %sub3A_497, %mul3A_553 : i32
        %add3A_555 = arith.constant 80 : i32
        %add3A_556 = arith.addi %mul3A_554, %add3A_555 : i32
        %get3A_557 = arith.index_cast %add3A_556 : i32 to index
        %get3A_558 = tpu.vector_load %arg6[%get3A_557] {strides = array<i32>} : memref<20000xi32, #tpu.memory_space<vmem>>, vector<16xi32>,
        %add3A_559 = arith.addi %get3A_558, %get3A_558 : vector<16xi32>
        %add3A_560 = vector.broadcast %arg0 : i32 to vector<16xi32>
        %add3A_561 = arith.addi %add3A_559, %add3A_560 : vector<16xi32>
        %swap3A_562 = arith.constant 80 : index
        %swap3A_563 = tpu.vector_load %arg8[%swap3A_562] {strides = array<i32>} : memref<128xi32, #tpu.memory_space<vmem>>, vector<16xi32>,
        tpu.vector_store %arg8[%swap3A_562], %add3A_561 {strides = array<i32>} : memref<128xi32, #tpu.memory_space<vmem>>, vector<16xi32>,
        %mul3A_564 = arith.constant 128 : i32
        %mul3A_565 = arith.muli %sub3A_497, %mul3A_564 : i32
        %add3A_566 = arith.constant 96 : i32
        %add3A_567 = arith.addi %mul3A_565, %add3A_566 : i32
        %get3A_568 = arith.index_cast %add3A_567 : i32 to index
        %get3A_569 = tpu.vector_load %arg6[%get3A_568] {strides = array<i32>} : memref<20000xi32, #tpu.memory_space<vmem>>, vector<16xi32>,
        %add3A_570 = arith.addi %get3A_569, %get3A_569 : vector<16xi32>
        %add3A_571 = vector.broadcast %arg0 : i32 to vector<16xi32>
        %add3A_572 = arith.addi %add3A_570, %add3A_571 : vector<16xi32>
        %swap3A_573 = arith.constant 96 : index
        %swap3A_574 = tpu.vector_load %arg8[%swap3A_573] {strides = array<i32>} : memref<128xi32, #tpu.memory_space<vmem>>, vector<16xi32>,
        tpu.vector_store %arg8[%swap3A_573], %add3A_572 {strides = array<i32>} : memref<128xi32, #tpu.memory_space<vmem>>, vector<16xi32>,
        %mul3A_575 = arith.constant 128 : i32
        %mul3A_576 = arith.muli %sub3A_497, %mul3A_575 : i32
        %add3A_577 = arith.constant 112 : i32
        %add3A_578 = arith.addi %mul3A_576, %add3A_577 : i32
        %get3A_579 = arith.index_cast %add3A_578 : i32 to index
        %get3A_580 = tpu.vector_load %arg6[%get3A_579] {strides = array<i32>} : memref<20000xi32, #tpu.memory_space<vmem>>, vector<16xi32>,
        %add3A_581 = arith.addi %get3A_580, %get3A_580 : vector<16xi32>
        %add3A_582 = vector.broadcast %arg0 : i32 to vector<16xi32>
        %add3A_583 = arith.addi %add3A_581, %add3A_582 : vector<16xi32>
        %swap3A_584 = arith.constant 112 : index
        %swap3A_585 = tpu.vector_load %arg8[%swap3A_584] {strides = array<i32>} : memref<128xi32, #tpu.memory_space<vmem>>, vector<16xi32>,
        tpu.vector_store %arg8[%swap3A_584], %add3A_583 {strides = array<i32>} : memref<128xi32, #tpu.memory_space<vmem>>, vector<16xi32>,
        %dma_start3A_586 = arith.constant 0 : i32
        %dma_start3A_587 = arith.constant 0 : i32
        %dma_start3A_588 = tpu.memref_slice %arg2[%dma_start3A_586, %dma_start3A_587] : memref<20000x64xf32, #tpu.memory_space<hbm>> -> memref<20000x64xf32, #tpu.memory_space<hbm>>
        tpu.enqueue_indirect_dma source(%dma_start3A_588 : memref<20000x64xf32, #tpu.memory_space<hbm>>) target(%arg11 : memref<128x64xf32, #tpu.memory_space<vmem>>) offsets(%arg8 : memref<128xi32, #tpu.memory_space<vmem>>) semaphore(%arg17 : memref<!tpu.dma_semaphore, #tpu.memory_space<semaphore_mem>>)
      } else {
      }
      %mul3A_362 = arith.constant 128 : i32
      %mul3A_363 = arith.muli %add3A_341, %mul3A_362 : i32
      %dma_start3A_364 = tpu.memref_slice %arg7[%mul3A_363] : memref<20000xi32, #tpu.memory_space<vmem>> -> memref<128xi32, #tpu.memory_space<vmem>>
      %dma_start3A_365 = arith.constant 0 : i32
      %dma_start3A_366 = arith.constant 0 : i32
      %dma_start3A_367 = tpu.memref_slice %arg16[%dma_start3A_365, %dma_start3A_366] : memref<10240x64xf32, #tpu.memory_space<vmem_shared>> -> memref<10240x64xf32, #tpu.memory_space<vmem_shared>>
      tpu.enqueue_indirect_dma source(%arg12 : memref<128x64xf32, #tpu.memory_space<vmem>>) target(%dma_start3A_367 : memref<10240x64xf32, #tpu.memory_space<vmem_shared>>) offsets(%dma_start3A_364 : memref<128xi32, #tpu.memory_space<vmem>>) semaphore(%arg21 : memref<!tpu.dma_semaphore, #tpu.memory_space<semaphore_mem>>) {add = true}
      %mul3A_368 = arith.constant 128 : i32
      %mul3A_369 = arith.muli %add3A_341, %mul3A_368 : i32
      %add3A_370 = arith.constant 0 : i32
      %add3A_371 = arith.addi %mul3A_369, %add3A_370 : i32
      %get3A_372 = arith.index_cast %add3A_371 : i32 to index
      %get3A_373 = tpu.vector_load %arg7[%get3A_372] {strides = array<i32>} : memref<20000xi32, #tpu.memory_space<vmem>>, vector<16xi32>,
      tpu.vector_store_idx %arg15[%get3A_373], %broadcast_in_dim3A_2 {add = true} : memref<10240xf32, #tpu.memory_space<vmem>>[vector<16xi32>], vector<16xf32>,
      %mul3A_374 = arith.constant 128 : i32
      %mul3A_375 = arith.muli %add3A_341, %mul3A_374 : i32
      %add3A_376 = arith.constant 16 : i32
      %add3A_377 = arith.addi %mul3A_375, %add3A_376 : i32
      %get3A_378 = arith.index_cast %add3A_377 : i32 to index
      %get3A_379 = tpu.vector_load %arg7[%get3A_378] {strides = array<i32>} : memref<20000xi32, #tpu.memory_space<vmem>>, vector<16xi32>,
      tpu.vector_store_idx %arg15[%get3A_379], %broadcast_in_dim3A_2 {add = true} : memref<10240xf32, #tpu.memory_space<vmem>>[vector<16xi32>], vector<16xf32>,
      %mul3A_380 = arith.constant 128 : i32
      %mul3A_381 = arith.muli %add3A_341, %mul3A_380 : i32
      %add3A_382 = arith.constant 32 : i32
      %add3A_383 = arith.addi %mul3A_381, %add3A_382 : i32
      %get3A_384 = arith.index_cast %add3A_383 : i32 to index
      %get3A_385 = tpu.vector_load %arg7[%get3A_384] {strides = array<i32>} : memref<20000xi32, #tpu.memory_space<vmem>>, vector<16xi32>,
      tpu.vector_store_idx %arg15[%get3A_385], %broadcast_in_dim3A_2 {add = true} : memref<10240xf32, #tpu.memory_space<vmem>>[vector<16xi32>], vector<16xf32>,
      %mul3A_386 = arith.constant 128 : i32
      %mul3A_387 = arith.muli %add3A_341, %mul3A_386 : i32
      %add3A_388 = arith.constant 48 : i32
      %add3A_389 = arith.addi %mul3A_387, %add3A_388 : i32
      %get3A_390 = arith.index_cast %add3A_389 : i32 to index
      %get3A_391 = tpu.vector_load %arg7[%get3A_390] {strides = array<i32>} : memref<20000xi32, #tpu.memory_space<vmem>>, vector<16xi32>,
      tpu.vector_store_idx %arg15[%get3A_391], %broadcast_in_dim3A_2 {add = true} : memref<10240xf32, #tpu.memory_space<vmem>>[vector<16xi32>], vector<16xf32>,
      %mul3A_392 = arith.constant 128 : i32
      %mul3A_393 = arith.muli %add3A_341, %mul3A_392 : i32
      %add3A_394 = arith.constant 64 : i32
      %add3A_395 = arith.addi %mul3A_393, %add3A_394 : i32
      %get3A_396 = arith.index_cast %add3A_395 : i32 to index
      %get3A_397 = tpu.vector_load %arg7[%get3A_396] {strides = array<i32>} : memref<20000xi32, #tpu.memory_space<vmem>>, vector<16xi32>,
      tpu.vector_store_idx %arg15[%get3A_397], %broadcast_in_dim3A_2 {add = true} : memref<10240xf32, #tpu.memory_space<vmem>>[vector<16xi32>], vector<16xf32>,
      %mul3A_398 = arith.constant 128 : i32
      %mul3A_399 = arith.muli %add3A_341, %mul3A_398 : i32
      %add3A_400 = arith.constant 80 : i32
      %add3A_401 = arith.addi %mul3A_399, %add3A_400 : i32
      %get3A_402 = arith.index_cast %add3A_401 : i32 to index
      %get3A_403 = tpu.vector_load %arg7[%get3A_402] {strides = array<i32>} : memref<20000xi32, #tpu.memory_space<vmem>>, vector<16xi32>,
      tpu.vector_store_idx %arg15[%get3A_403], %broadcast_in_dim3A_2 {add = true} : memref<10240xf32, #tpu.memory_space<vmem>>[vector<16xi32>], vector<16xf32>,
      %mul3A_404 = arith.constant 128 : i32
      %mul3A_405 = arith.muli %add3A_341, %mul3A_404 : i32
      %add3A_406 = arith.constant 96 : i32
      %add3A_407 = arith.addi %mul3A_405, %add3A_406 : i32
      %get3A_408 = arith.index_cast %add3A_407 : i32 to index
      %get3A_409 = tpu.vector_load %arg7[%get3A_408] {strides = array<i32>} : memref<20000xi32, #tpu.memory_space<vmem>>, vector<16xi32>,
      tpu.vector_store_idx %arg15[%get3A_409], %broadcast_in_dim3A_2 {add = true} : memref<10240xf32, #tpu.memory_space<vmem>>[vector<16xi32>], vector<16xf32>,
      %mul3A_410 = arith.constant 128 : i32
      %mul3A_411 = arith.muli %add3A_341, %mul3A_410 : i32
      %add3A_412 = arith.constant 112 : i32
      %add3A_413 = arith.addi %mul3A_411, %add3A_412 : i32
      %get3A_414 = arith.index_cast %add3A_413 : i32 to index
      %get3A_415 = tpu.vector_load %arg7[%get3A_414] {strides = array<i32>} : memref<20000xi32, #tpu.memory_space<vmem>>, vector<16xi32>,
      tpu.vector_store_idx %arg15[%get3A_415], %broadcast_in_dim3A_2 {add = true} : memref<10240xf32, #tpu.memory_space<vmem>>[vector<16xi32>], vector<16xf32>,
      %mul3A_416 = arith.constant 3 : i32
      %mul3A_417 = arith.muli %mul3A_416, %scan3A_262 : i32
      %add3A_418 = arith.constant 2 : i32
      %add3A_419 = arith.addi %mul3A_417, %add3A_418 : i32
      %dma_wait3A_420 = arith.constant 0 : i32
      %dma_wait3A_421 = arith.constant 0 : i32
      %dma_wait3A_422 = tpu.memref_slice %arg2[%dma_wait3A_420, %dma_wait3A_421] : memref<20000x64xf32, #tpu.memory_space<hbm>> -> memref<128x64xf32, #tpu.memory_space<hbm>>
      %dma_wait3A_423 = arith.constant 0 : i32
      %dma_wait3A_424 = arith.constant 0 : i32
      %dma_wait3A_425 = tpu.memref_slice %arg2[%dma_wait3A_423, %dma_wait3A_424] : memref<20000x64xf32, #tpu.memory_space<hbm>> -> memref<128x64xf32, #tpu.memory_space<hbm>>
      tpu.wait_dma2 semaphore(%arg19 : memref<!tpu.dma_semaphore, #tpu.memory_space<semaphore_mem>>) src(%dma_wait3A_425 : memref<128x64xf32, #tpu.memory_space<hbm>>) dst(%arg13 : memref<128x64xf32, #tpu.memory_space<vmem>>)
      %gt3A_426 = arith.constant 0 : i32
      %gt3A_427 = arith.cmpi sgt, %add3A_419, %gt3A_426 : i32
      %convert_element_type3A_428 = arith.extui %gt3A_427 : i1 to i32
      %cond3A_429 = arith.constant 0 : i32
      %cond3A_430 = arith.cmpi ne, %convert_element_type3A_428, %cond3A_429 : i32
      scf.if %cond3A_430 {
        %sub3A_494 = arith.constant 1 : i32
        %sub3A_495 = arith.subi %add3A_419, %sub3A_494 : i32
        %mul3A_496 = arith.constant 128 : i32
        %mul3A_497 = arith.muli %sub3A_495, %mul3A_496 : i32
        %dma_wait3A_498 = tpu.memref_slice %arg7[%mul3A_497] : memref<20000xi32, #tpu.memory_space<vmem>> -> memref<128xi32, #tpu.memory_space<vmem>>
        %dma_wait3A_499 = arith.constant 0 : i32
        %dma_wait3A_500 = arith.constant 0 : i32
        %dma_wait3A_501 = tpu.memref_slice %arg16[%dma_wait3A_499, %dma_wait3A_500] : memref<10240x64xf32, #tpu.memory_space<vmem_shared>> -> memref<10240x64xf32, #tpu.memory_space<vmem_shared>>
        tpu.wait_indirect_dma semaphore(%arg21 : memref<!tpu.dma_semaphore, #tpu.memory_space<semaphore_mem>>) src(%arg12 : memref<128x64xf32, #tpu.memory_space<vmem>>) dst(%dma_wait3A_501 : memref<10240x64xf32, #tpu.memory_space<vmem_shared>>)
      } else {
      }
      %add3A_431 = arith.constant 3 : i32
      %add3A_432 = arith.addi %add3A_419, %add3A_431 : i32
      %sub3A_433 = arith.constant 1 : i32
      %sub3A_434 = arith.subi %add3A_432, %sub3A_433 : i32
      %lt3A_435 = arith.constant 156 : i32
      %lt3A_436 = arith.cmpi slt, %sub3A_434, %lt3A_435 : i32
      %convert_element_type3A_437 = arith.extui %lt3A_436 : i1 to i32
      %cond3A_438 = arith.constant 0 : i32
      %cond3A_439 = arith.cmpi ne, %convert_element_type3A_437, %cond3A_438 : i32
      scf.if %cond3A_439 {
        %add3A_494 = arith.constant 3 : i32
        %add3A_495 = arith.addi %add3A_419, %add3A_494 : i32
        %sub3A_496 = arith.constant 1 : i32
        %sub3A_497 = arith.subi %add3A_495, %sub3A_496 : i32
        %mul3A_498 = arith.constant 128 : i32
        %mul3A_499 = arith.muli %sub3A_497, %mul3A_498 : i32
        %add3A_500 = arith.constant 0 : i32
        %add3A_501 = arith.addi %mul3A_499, %add3A_500 : i32
        %get3A_502 = arith.index_cast %add3A_501 : i32 to index
        %get3A_503 = tpu.vector_load %arg6[%get3A_502] {strides = array<i32>} : memref<20000xi32, #tpu.memory_space<vmem>>, vector<16xi32>,
        %add3A_504 = arith.addi %get3A_503, %get3A_503 : vector<16xi32>
        %add3A_505 = vector.broadcast %arg0 : i32 to vector<16xi32>
        %add3A_506 = arith.addi %add3A_504, %add3A_505 : vector<16xi32>
        %swap3A_507 = arith.constant 0 : index
        %swap3A_508 = tpu.vector_load %arg9[%swap3A_507] {strides = array<i32>} : memref<128xi32, #tpu.memory_space<vmem>>, vector<16xi32>,
        tpu.vector_store %arg9[%swap3A_507], %add3A_506 {strides = array<i32>} : memref<128xi32, #tpu.memory_space<vmem>>, vector<16xi32>,
        %mul3A_509 = arith.constant 128 : i32
        %mul3A_510 = arith.muli %sub3A_497, %mul3A_509 : i32
        %add3A_511 = arith.constant 16 : i32
        %add3A_512 = arith.addi %mul3A_510, %add3A_511 : i32
        %get3A_513 = arith.index_cast %add3A_512 : i32 to index
        %get3A_514 = tpu.vector_load %arg6[%get3A_513] {strides = array<i32>} : memref<20000xi32, #tpu.memory_space<vmem>>, vector<16xi32>,
        %add3A_515 = arith.addi %get3A_514, %get3A_514 : vector<16xi32>
        %add3A_516 = vector.broadcast %arg0 : i32 to vector<16xi32>
        %add3A_517 = arith.addi %add3A_515, %add3A_516 : vector<16xi32>
        %swap3A_518 = arith.constant 16 : index
        %swap3A_519 = tpu.vector_load %arg9[%swap3A_518] {strides = array<i32>} : memref<128xi32, #tpu.memory_space<vmem>>, vector<16xi32>,
        tpu.vector_store %arg9[%swap3A_518], %add3A_517 {strides = array<i32>} : memref<128xi32, #tpu.memory_space<vmem>>, vector<16xi32>,
        %mul3A_520 = arith.constant 128 : i32
        %mul3A_521 = arith.muli %sub3A_497, %mul3A_520 : i32
        %add3A_522 = arith.constant 32 : i32
        %add3A_523 = arith.addi %mul3A_521, %add3A_522 : i32
        %get3A_524 = arith.index_cast %add3A_523 : i32 to index
        %get3A_525 = tpu.vector_load %arg6[%get3A_524] {strides = array<i32>} : memref<20000xi32, #tpu.memory_space<vmem>>, vector<16xi32>,
        %add3A_526 = arith.addi %get3A_525, %get3A_525 : vector<16xi32>
        %add3A_527 = vector.broadcast %arg0 : i32 to vector<16xi32>
        %add3A_528 = arith.addi %add3A_526, %add3A_527 : vector<16xi32>
        %swap3A_529 = arith.constant 32 : index
        %swap3A_530 = tpu.vector_load %arg9[%swap3A_529] {strides = array<i32>} : memref<128xi32, #tpu.memory_space<vmem>>, vector<16xi32>,
        tpu.vector_store %arg9[%swap3A_529], %add3A_528 {strides = array<i32>} : memref<128xi32, #tpu.memory_space<vmem>>, vector<16xi32>,
        %mul3A_531 = arith.constant 128 : i32
        %mul3A_532 = arith.muli %sub3A_497, %mul3A_531 : i32
        %add3A_533 = arith.constant 48 : i32
        %add3A_534 = arith.addi %mul3A_532, %add3A_533 : i32
        %get3A_535 = arith.index_cast %add3A_534 : i32 to index
        %get3A_536 = tpu.vector_load %arg6[%get3A_535] {strides = array<i32>} : memref<20000xi32, #tpu.memory_space<vmem>>, vector<16xi32>,
        %add3A_537 = arith.addi %get3A_536, %get3A_536 : vector<16xi32>
        %add3A_538 = vector.broadcast %arg0 : i32 to vector<16xi32>
        %add3A_539 = arith.addi %add3A_537, %add3A_538 : vector<16xi32>
        %swap3A_540 = arith.constant 48 : index
        %swap3A_541 = tpu.vector_load %arg9[%swap3A_540] {strides = array<i32>} : memref<128xi32, #tpu.memory_space<vmem>>, vector<16xi32>,
        tpu.vector_store %arg9[%swap3A_540], %add3A_539 {strides = array<i32>} : memref<128xi32, #tpu.memory_space<vmem>>, vector<16xi32>,
        %mul3A_542 = arith.constant 128 : i32
        %mul3A_543 = arith.muli %sub3A_497, %mul3A_542 : i32
        %add3A_544 = arith.constant 64 : i32
        %add3A_545 = arith.addi %mul3A_543, %add3A_544 : i32
        %get3A_546 = arith.index_cast %add3A_545 : i32 to index
        %get3A_547 = tpu.vector_load %arg6[%get3A_546] {strides = array<i32>} : memref<20000xi32, #tpu.memory_space<vmem>>, vector<16xi32>,
        %add3A_548 = arith.addi %get3A_547, %get3A_547 : vector<16xi32>
        %add3A_549 = vector.broadcast %arg0 : i32 to vector<16xi32>
        %add3A_550 = arith.addi %add3A_548, %add3A_549 : vector<16xi32>
        %swap3A_551 = arith.constant 64 : index
        %swap3A_552 = tpu.vector_load %arg9[%swap3A_551] {strides = array<i32>} : memref<128xi32, #tpu.memory_space<vmem>>, vector<16xi32>,
        tpu.vector_store %arg9[%swap3A_551], %add3A_550 {strides = array<i32>} : memref<128xi32, #tpu.memory_space<vmem>>, vector<16xi32>,
        %mul3A_553 = arith.constant 128 : i32
        %mul3A_554 = arith.muli %sub3A_497, %mul3A_553 : i32
        %add3A_555 = arith.constant 80 : i32
        %add3A_556 = arith.addi %mul3A_554, %add3A_555 : i32
        %get3A_557 = arith.index_cast %add3A_556 : i32 to index
        %get3A_558 = tpu.vector_load %arg6[%get3A_557] {strides = array<i32>} : memref<20000xi32, #tpu.memory_space<vmem>>, vector<16xi32>,
        %add3A_559 = arith.addi %get3A_558, %get3A_558 : vector<16xi32>
        %add3A_560 = vector.broadcast %arg0 : i32 to vector<16xi32>
        %add3A_561 = arith.addi %add3A_559, %add3A_560 : vector<16xi32>
        %swap3A_562 = arith.constant 80 : index
        %swap3A_563 = tpu.vector_load %arg9[%swap3A_562] {strides = array<i32>} : memref<128xi32, #tpu.memory_space<vmem>>, vector<16xi32>,
        tpu.vector_store %arg9[%swap3A_562], %add3A_561 {strides = array<i32>} : memref<128xi32, #tpu.memory_space<vmem>>, vector<16xi32>,
        %mul3A_564 = arith.constant 128 : i32
        %mul3A_565 = arith.muli %sub3A_497, %mul3A_564 : i32
        %add3A_566 = arith.constant 96 : i32
        %add3A_567 = arith.addi %mul3A_565, %add3A_566 : i32
        %get3A_568 = arith.index_cast %add3A_567 : i32 to index
        %get3A_569 = tpu.vector_load %arg6[%get3A_568] {strides = array<i32>} : memref<20000xi32, #tpu.memory_space<vmem>>, vector<16xi32>,
        %add3A_570 = arith.addi %get3A_569, %get3A_569 : vector<16xi32>
        %add3A_571 = vector.broadcast %arg0 : i32 to vector<16xi32>
        %add3A_572 = arith.addi %add3A_570, %add3A_571 : vector<16xi32>
        %swap3A_573 = arith.constant 96 : index
        %swap3A_574 = tpu.vector_load %arg9[%swap3A_573] {strides = array<i32>} : memref<128xi32, #tpu.memory_space<vmem>>, vector<16xi32>,
        tpu.vector_store %arg9[%swap3A_573], %add3A_572 {strides = array<i32>} : memref<128xi32, #tpu.memory_space<vmem>>, vector<16xi32>,
        %mul3A_575 = arith.constant 128 : i32
        %mul3A_576 = arith.muli %sub3A_497, %mul3A_575 : i32
        %add3A_577 = arith.constant 112 : i32
        %add3A_578 = arith.addi %mul3A_576, %add3A_577 : i32
        %get3A_579 = arith.index_cast %add3A_578 : i32 to index
        %get3A_580 = tpu.vector_load %arg6[%get3A_579] {strides = array<i32>} : memref<20000xi32, #tpu.memory_space<vmem>>, vector<16xi32>,
        %add3A_581 = arith.addi %get3A_580, %get3A_580 : vector<16xi32>
        %add3A_582 = vector.broadcast %arg0 : i32 to vector<16xi32>
        %add3A_583 = arith.addi %add3A_581, %add3A_582 : vector<16xi32>
        %swap3A_584 = arith.constant 112 : index
        %swap3A_585 = tpu.vector_load %arg9[%swap3A_584] {strides = array<i32>} : memref<128xi32, #tpu.memory_space<vmem>>, vector<16xi32>,
        tpu.vector_store %arg9[%swap3A_584], %add3A_583 {strides = array<i32>} : memref<128xi32, #tpu.memory_space<vmem>>, vector<16xi32>,
        %dma_start3A_586 = arith.constant 0 : i32
        %dma_start3A_587 = arith.constant 0 : i32
        %dma_start3A_588 = tpu.memref_slice %arg2[%dma_start3A_586, %dma_start3A_587] : memref<20000x64xf32, #tpu.memory_space<hbm>> -> memref<20000x64xf32, #tpu.memory_space<hbm>>
        tpu.enqueue_indirect_dma source(%dma_start3A_588 : memref<20000x64xf32, #tpu.memory_space<hbm>>) target(%arg12 : memref<128x64xf32, #tpu.memory_space<vmem>>) offsets(%arg9 : memref<128xi32, #tpu.memory_space<vmem>>) semaphore(%arg18 : memref<!tpu.dma_semaphore, #tpu.memory_space<semaphore_mem>>)
      } else {
      }
      %mul3A_440 = arith.constant 128 : i32
      %mul3A_441 = arith.muli %add3A_419, %mul3A_440 : i32
      %dma_start3A_442 = tpu.memref_slice %arg7[%mul3A_441] : memref<20000xi32, #tpu.memory_space<vmem>> -> memref<128xi32, #tpu.memory_space<vmem>>
      %dma_start3A_443 = arith.constant 0 : i32
      %dma_start3A_444 = arith.constant 0 : i32
      %dma_start3A_445 = tpu.memref_slice %arg16[%dma_start3A_443, %dma_start3A_444] : memref<10240x64xf32, #tpu.memory_space<vmem_shared>> -> memref<10240x64xf32, #tpu.memory_space<vmem_shared>>
      tpu.enqueue_indirect_dma source(%arg13 : memref<128x64xf32, #tpu.memory_space<vmem>>) target(%dma_start3A_445 : memref<10240x64xf32, #tpu.memory_space<vmem_shared>>) offsets(%dma_start3A_442 : memref<128xi32, #tpu.memory_space<vmem>>) semaphore(%arg22 : memref<!tpu.dma_semaphore, #tpu.memory_space<semaphore_mem>>) {add = true}
      %mul3A_446 = arith.constant 128 : i32
      %mul3A_447 = arith.muli %add3A_419, %mul3A_446 : i32
      %add3A_448 = arith.constant 0 : i32
      %add3A_449 = arith.addi %mul3A_447, %add3A_448 : i32
      %get3A_450 = arith.index_cast %add3A_449 : i32 to index
      %get3A_451 = tpu.vector_load %arg7[%get3A_450] {strides = array<i32>} : memref<20000xi32, #tpu.memory_space<vmem>>, vector<16xi32>,
      tpu.vector_store_idx %arg15[%get3A_451], %broadcast_in_dim3A_2 {add = true} : memref<10240xf32, #tpu.memory_space<vmem>>[vector<16xi32>], vector<16xf32>,
      %mul3A_452 = arith.constant 128 : i32
      %mul3A_453 = arith.muli %add3A_419, %mul3A_452 : i32
      %add3A_454 = arith.constant 16 : i32
      %add3A_455 = arith.addi %mul3A_453, %add3A_454 : i32
      %get3A_456 = arith.index_cast %add3A_455 : i32 to index
      %get3A_457 = tpu.vector_load %arg7[%get3A_456] {strides = array<i32>} : memref<20000xi32, #tpu.memory_space<vmem>>, vector<16xi32>,
      tpu.vector_store_idx %arg15[%get3A_457], %broadcast_in_dim3A_2 {add = true} : memref<10240xf32, #tpu.memory_space<vmem>>[vector<16xi32>], vector<16xf32>,
      %mul3A_458 = arith.constant 128 : i32
      %mul3A_459 = arith.muli %add3A_419, %mul3A_458 : i32
      %add3A_460 = arith.constant 32 : i32
      %add3A_461 = arith.addi %mul3A_459, %add3A_460 : i32
      %get3A_462 = arith.index_cast %add3A_461 : i32 to index
      %get3A_463 = tpu.vector_load %arg7[%get3A_462] {strides = array<i32>} : memref<20000xi32, #tpu.memory_space<vmem>>, vector<16xi32>,
      tpu.vector_store_idx %arg15[%get3A_463], %broadcast_in_dim3A_2 {add = true} : memref<10240xf32, #tpu.memory_space<vmem>>[vector<16xi32>], vector<16xf32>,
      %mul3A_464 = arith.constant 128 : i32
      %mul3A_465 = arith.muli %add3A_419, %mul3A_464 : i32
      %add3A_466 = arith.constant 48 : i32
      %add3A_467 = arith.addi %mul3A_465, %add3A_466 : i32
      %get3A_468 = arith.index_cast %add3A_467 : i32 to index
      %get3A_469 = tpu.vector_load %arg7[%get3A_468] {strides = array<i32>} : memref<20000xi32, #tpu.memory_space<vmem>>, vector<16xi32>,
      tpu.vector_store_idx %arg15[%get3A_469], %broadcast_in_dim3A_2 {add = true} : memref<10240xf32, #tpu.memory_space<vmem>>[vector<16xi32>], vector<16xf32>,
      %mul3A_470 = arith.constant 128 : i32
      %mul3A_471 = arith.muli %add3A_419, %mul3A_470 : i32
      %add3A_472 = arith.constant 64 : i32
      %add3A_473 = arith.addi %mul3A_471, %add3A_472 : i32
      %get3A_474 = arith.index_cast %add3A_473 : i32 to index
      %get3A_475 = tpu.vector_load %arg7[%get3A_474] {strides = array<i32>} : memref<20000xi32, #tpu.memory_space<vmem>>, vector<16xi32>,
      tpu.vector_store_idx %arg15[%get3A_475], %broadcast_in_dim3A_2 {add = true} : memref<10240xf32, #tpu.memory_space<vmem>>[vector<16xi32>], vector<16xf32>,
      %mul3A_476 = arith.constant 128 : i32
      %mul3A_477 = arith.muli %add3A_419, %mul3A_476 : i32
      %add3A_478 = arith.constant 80 : i32
      %add3A_479 = arith.addi %mul3A_477, %add3A_478 : i32
      %get3A_480 = arith.index_cast %add3A_479 : i32 to index
      %get3A_481 = tpu.vector_load %arg7[%get3A_480] {strides = array<i32>} : memref<20000xi32, #tpu.memory_space<vmem>>, vector<16xi32>,
      tpu.vector_store_idx %arg15[%get3A_481], %broadcast_in_dim3A_2 {add = true} : memref<10240xf32, #tpu.memory_space<vmem>>[vector<16xi32>], vector<16xf32>,
      %mul3A_482 = arith.constant 128 : i32
      %mul3A_483 = arith.muli %add3A_419, %mul3A_482 : i32
      %add3A_484 = arith.constant 96 : i32
      %add3A_485 = arith.addi %mul3A_483, %add3A_484 : i32
      %get3A_486 = arith.index_cast %add3A_485 : i32 to index
      %get3A_487 = tpu.vector_load %arg7[%get3A_486] {strides = array<i32>} : memref<20000xi32, #tpu.memory_space<vmem>>, vector<16xi32>,
      tpu.vector_store_idx %arg15[%get3A_487], %broadcast_in_dim3A_2 {add = true} : memref<10240xf32, #tpu.memory_space<vmem>>[vector<16xi32>], vector<16xf32>,
      %mul3A_488 = arith.constant 128 : i32
      %mul3A_489 = arith.muli %add3A_419, %mul3A_488 : i32
      %add3A_490 = arith.constant 112 : i32
      %add3A_491 = arith.addi %mul3A_489, %add3A_490 : i32
      %get3A_492 = arith.index_cast %add3A_491 : i32 to index
      %get3A_493 = tpu.vector_load %arg7[%get3A_492] {strides = array<i32>} : memref<20000xi32, #tpu.memory_space<vmem>>, vector<16xi32>,
      tpu.vector_store_idx %arg15[%get3A_493], %broadcast_in_dim3A_2 {add = true} : memref<10240xf32, #tpu.memory_space<vmem>>[vector<16xi32>], vector<16xf32>,
    }
    %scan3A_233 = arith.constant 52 : i32
    %dma_wait3A_234 = arith.constant 19840 : i32
    %dma_wait3A_235 = tpu.memref_slice %arg7[%dma_wait3A_234] : memref<20000xi32, #tpu.memory_space<vmem>> -> memref<128xi32, #tpu.memory_space<vmem>>
    %dma_wait3A_236 = arith.constant 0 : i32
    %dma_wait3A_237 = arith.constant 0 : i32
    %dma_wait3A_238 = tpu.memref_slice %arg16[%dma_wait3A_236, %dma_wait3A_237] : memref<10240x64xf32, #tpu.memory_space<vmem_shared>> -> memref<10240x64xf32, #tpu.memory_space<vmem_shared>>
    tpu.wait_indirect_dma semaphore(%arg22 : memref<!tpu.dma_semaphore, #tpu.memory_space<semaphore_mem>>) src(%arg13 : memref<128x64xf32, #tpu.memory_space<vmem>>) dst(%dma_wait3A_238 : memref<10240x64xf32, #tpu.memory_space<vmem_shared>>)
    %get3A_239 = arith.constant 19968 : index
    %get3A_240 = tpu.vector_load %arg6[%get3A_239] {strides = array<i32>} : memref<20000xi32, #tpu.memory_space<vmem>>, vector<16xi32>,
    %add3A_241 = arith.addi %get3A_240, %get3A_240 : vector<16xi32>
    %add3A_242 = vector.broadcast %arg0 : i32 to vector<16xi32>
    %add3A_243 = arith.addi %add3A_241, %add3A_242 : vector<16xi32>
    %swap3A_244 = arith.constant 0 : index
    %swap3A_245 = tpu.vector_load %arg8[%swap3A_244] {strides = array<i32>} : memref<128xi32, #tpu.memory_space<vmem>>, vector<16xi32>,
    tpu.vector_store %arg8[%swap3A_244], %add3A_243 {strides = array<i32>} : memref<128xi32, #tpu.memory_space<vmem>>, vector<16xi32>,
    %get3A_246 = arith.constant 19984 : index
    %get3A_247 = tpu.vector_load %arg6[%get3A_246] {strides = array<i32>} : memref<20000xi32, #tpu.memory_space<vmem>>, vector<16xi32>,
    %add3A_248 = arith.addi %get3A_247, %get3A_247 : vector<16xi32>
    %add3A_249 = vector.broadcast %arg0 : i32 to vector<16xi32>
    %add3A_250 = arith.addi %add3A_248, %add3A_249 : vector<16xi32>
    %swap3A_251 = arith.constant 16 : index
    %swap3A_252 = tpu.vector_load %arg8[%swap3A_251] {strides = array<i32>} : memref<128xi32, #tpu.memory_space<vmem>>, vector<16xi32>,
    tpu.vector_store %arg8[%swap3A_251], %add3A_250 {strides = array<i32>} : memref<128xi32, #tpu.memory_space<vmem>>, vector<16xi32>,
    "tpu.region"() ({
      %run_scoped3A = tpu.sem_alloc : memref<!tpu.dma_semaphore, #tpu.memory_space<semaphore_mem>>
      %dma_start3A_262 = arith.constant 0 : i32
      %dma_start3A_263 = arith.constant 0 : i32
      %dma_start3A_264 = tpu.memref_slice %arg11[%dma_start3A_262, %dma_start3A_263] : memref<128x64xf32, #tpu.memory_space<vmem>> -> memref<32x64xf32, #tpu.memory_space<vmem>>
      %dma_start3A_265 = arith.constant 0 : i32
      %dma_start3A_266 = tpu.memref_slice %arg8[%dma_start3A_265] : memref<128xi32, #tpu.memory_space<vmem>> -> memref<32xi32, #tpu.memory_space<vmem>>
      %dma_start3A_267 = arith.constant 0 : i32
      %dma_start3A_268 = arith.constant 0 : i32
      %dma_start3A_269 = tpu.memref_slice %arg2[%dma_start3A_267, %dma_start3A_268] : memref<20000x64xf32, #tpu.memory_space<hbm>> -> memref<20000x64xf32, #tpu.memory_space<hbm>>
      tpu.enqueue_indirect_dma source(%dma_start3A_269 : memref<20000x64xf32, #tpu.memory_space<hbm>>) target(%dma_start3A_264 : memref<32x64xf32, #tpu.memory_space<vmem>>) offsets(%dma_start3A_266 : memref<32xi32, #tpu.memory_space<vmem>>) semaphore(%run_scoped3A : memref<!tpu.dma_semaphore, #tpu.memory_space<semaphore_mem>>)
      %dma_wait3A_270 = arith.constant 0 : i32
      %dma_wait3A_271 = arith.constant 0 : i32
      %dma_wait3A_272 = tpu.memref_slice %arg11[%dma_wait3A_270, %dma_wait3A_271] : memref<128x64xf32, #tpu.memory_space<vmem>> -> memref<32x64xf32, #tpu.memory_space<vmem>>
      %dma_wait3A_273 = arith.constant 0 : i32
      %dma_wait3A_274 = tpu.memref_slice %arg8[%dma_wait3A_273] : memref<128xi32, #tpu.memory_space<vmem>> -> memref<32xi32, #tpu.memory_space<vmem>>
      %dma_wait3A_275 = arith.constant 0 : i32
      %dma_wait3A_276 = arith.constant 0 : i32
      %dma_wait3A_277 = tpu.memref_slice %arg2[%dma_wait3A_275, %dma_wait3A_276] : memref<20000x64xf32, #tpu.memory_space<hbm>> -> memref<20000x64xf32, #tpu.memory_space<hbm>>
      tpu.wait_indirect_dma semaphore(%run_scoped3A : memref<!tpu.dma_semaphore, #tpu.memory_space<semaphore_mem>>) src(%dma_wait3A_277 : memref<20000x64xf32, #tpu.memory_space<hbm>>) dst(%dma_wait3A_272 : memref<32x64xf32, #tpu.memory_space<vmem>>)
      tpu.yield
    }) : () -> ()
    "tpu.region"() ({
      %run_scoped3A = tpu.sem_alloc : memref<!tpu.dma_semaphore, #tpu.memory_space<semaphore_mem>>
      %dma_start3A_262 = arith.constant 0 : i32
      %dma_start3A_263 = arith.constant 0 : i32
      %dma_start3A_264 = tpu.memref_slice %arg11[%dma_start3A_262, %dma_start3A_263] : memref<128x64xf32, #tpu.memory_space<vmem>> -> memref<32x64xf32, #tpu.memory_space<vmem>>
      %dma_start3A_265 = arith.constant 19968 : i32
      %dma_start3A_266 = tpu.memref_slice %arg7[%dma_start3A_265] : memref<20000xi32, #tpu.memory_space<vmem>> -> memref<32xi32, #tpu.memory_space<vmem>>
      %dma_start3A_267 = arith.constant 0 : i32
      %dma_start3A_268 = arith.constant 0 : i32
      %dma_start3A_269 = tpu.memref_slice %arg16[%dma_start3A_267, %dma_start3A_268] : memref<10240x64xf32, #tpu.memory_space<vmem_shared>> -> memref<10240x64xf32, #tpu.memory_space<vmem_shared>>
      tpu.enqueue_indirect_dma source(%dma_start3A_264 : memref<32x64xf32, #tpu.memory_space<vmem>>) target(%dma_start3A_269 : memref<10240x64xf32, #tpu.memory_space<vmem_shared>>) offsets(%dma_start3A_266 : memref<32xi32, #tpu.memory_space<vmem>>) semaphore(%run_scoped3A : memref<!tpu.dma_semaphore, #tpu.memory_space<semaphore_mem>>) {add = true}
      %dma_wait3A_270 = arith.constant 0 : i32
      %dma_wait3A_271 = arith.constant 0 : i32
      %dma_wait3A_272 = tpu.memref_slice %arg11[%dma_wait3A_270, %dma_wait3A_271] : memref<128x64xf32, #tpu.memory_space<vmem>> -> memref<32x64xf32, #tpu.memory_space<vmem>>
      %dma_wait3A_273 = arith.constant 19968 : i32
      %dma_wait3A_274 = tpu.memref_slice %arg7[%dma_wait3A_273] : memref<20000xi32, #tpu.memory_space<vmem>> -> memref<32xi32, #tpu.memory_space<vmem>>
      %dma_wait3A_275 = arith.constant 0 : i32
      %dma_wait3A_276 = arith.constant 0 : i32
      %dma_wait3A_277 = tpu.memref_slice %arg16[%dma_wait3A_275, %dma_wait3A_276] : memref<10240x64xf32, #tpu.memory_space<vmem_shared>> -> memref<10240x64xf32, #tpu.memory_space<vmem_shared>>
      tpu.wait_indirect_dma semaphore(%run_scoped3A : memref<!tpu.dma_semaphore, #tpu.memory_space<semaphore_mem>>) src(%dma_wait3A_272 : memref<32x64xf32, #tpu.memory_space<vmem>>) dst(%dma_wait3A_277 : memref<10240x64xf32, #tpu.memory_space<vmem_shared>>)
      tpu.yield
    }) : () -> ()
    %get3A_253 = arith.constant 19968 : index
    %get3A_254 = tpu.vector_load %arg7[%get3A_253] {strides = array<i32>} : memref<20000xi32, #tpu.memory_space<vmem>>, vector<16xi32>,
    tpu.vector_store_idx %arg15[%get3A_254], %broadcast_in_dim3A_2 {add = true} : memref<10240xf32, #tpu.memory_space<vmem>>[vector<16xi32>], vector<16xf32>,
    %get3A_255 = arith.constant 19984 : index
    %get3A_256 = tpu.vector_load %arg7[%get3A_255] {strides = array<i32>} : memref<20000xi32, #tpu.memory_space<vmem>>, vector<16xi32>,
    tpu.vector_store_idx %arg15[%get3A_256], %broadcast_in_dim3A_2 {add = true} : memref<10240xf32, #tpu.memory_space<vmem>>[vector<16xi32>], vector<16xf32>,
    %eq3A = arith.constant 0 : i32
    %eq3A_257 = arith.cmpi eq, %arg0, %eq3A : i32
    %convert_element_type3A = arith.extui %eq3A_257 : i1 to i32
    %cond3A = arith.constant 0 : i32
    %cond3A_258 = arith.cmpi ne, %convert_element_type3A, %cond3A : i32
    scf.if %cond3A_258 {
      "tpu.region"() ({
        %run_scoped3A = tpu.sem_alloc : memref<!tpu.dma_semaphore, #tpu.memory_space<semaphore_mem>>
        %dma_start3A_262 = arith.constant 0 : i32
        %dma_start3A_263 = tpu.memref_slice %arg5[%arg1, %dma_start3A_262] : memref<16x10240xf32, #tpu.memory_space<hbm>> -> memref<1x10240xf32, #tpu.memory_space<hbm>>
        %dma_start3A_264 = tpu.memref_squeeze %dma_start3A_263 : memref<1x10240xf32, #tpu.memory_space<hbm>> -> memref<10240xf32, #tpu.memory_space<hbm>>
        %dma_start3A_265 = arith.constant 0 : i32
        %dma_start3A_266 = tpu.memref_slice %arg5[%arg1, %dma_start3A_265] : memref<16x10240xf32, #tpu.memory_space<hbm>> -> memref<1x10240xf32, #tpu.memory_space<hbm>>
        %dma_start3A_267 = tpu.memref_squeeze %dma_start3A_266 : memref<1x10240xf32, #tpu.memory_space<hbm>> -> memref<10240xf32, #tpu.memory_space<hbm>>
        tpu.enqueue_dma source(%arg15 : memref<10240xf32, #tpu.memory_space<vmem>>) target(%dma_start3A_267 : memref<10240xf32, #tpu.memory_space<hbm>>) target_semaphore(%run_scoped3A : memref<!tpu.dma_semaphore, #tpu.memory_space<semaphore_mem>>)
        %dma_wait3A_268 = arith.constant 0 : i32
        %dma_wait3A_269 = tpu.memref_slice %arg5[%arg1, %dma_wait3A_268] : memref<16x10240xf32, #tpu.memory_space<hbm>> -> memref<1x10240xf32, #tpu.memory_space<hbm>>
        %dma_wait3A_270 = tpu.memref_squeeze %dma_wait3A_269 : memref<1x10240xf32, #tpu.memory_space<hbm>> -> memref<10240xf32, #tpu.memory_space<hbm>>
        %dma_wait3A_271 = arith.constant 0 : i32
        %dma_wait3A_272 = tpu.memref_slice %arg5[%arg1, %dma_wait3A_271] : memref<16x10240xf32, #tpu.memory_space<hbm>> -> memref<1x10240xf32, #tpu.memory_space<hbm>>
        %dma_wait3A_273 = tpu.memref_squeeze %dma_wait3A_272 : memref<1x10240xf32, #tpu.memory_space<hbm>> -> memref<10240xf32, #tpu.memory_space<hbm>>
        tpu.wait_dma2 semaphore(%run_scoped3A : memref<!tpu.dma_semaphore, #tpu.memory_space<semaphore_mem>>) src(%arg15 : memref<10240xf32, #tpu.memory_space<vmem>>) dst(%dma_wait3A_273 : memref<10240xf32, #tpu.memory_space<hbm>>)
        tpu.yield
      }) : () -> ()
    } else {
    }
    %barrier3A_259 = arith.constant 0 : index
    tpu.barrier barrier_id(%barrier3A_259)
    %mul3A_260 = arith.constant 640 : i32
    %mul3A_261 = arith.muli %arg1, %mul3A_260 : i32
    "tpu.region"() ({
      %run_scoped3A = tpu.sem_alloc : memref<!tpu.dma_semaphore, #tpu.memory_space<semaphore_mem>>
      %dma_start3A_262 = arith.constant 0 : i32
      %dma_start3A_263 = tpu.memref_slice %arg4[%arg0, %mul3A_261, %dma_start3A_262] : memref<2x10240x64xf32, #tpu.memory_space<hbm>> -> memref<1x640x64xf32, #tpu.memory_space<hbm>>
      %dma_start3A_264 = tpu.memref_squeeze %dma_start3A_263 : memref<1x640x64xf32, #tpu.memory_space<hbm>> -> memref<640x64xf32, #tpu.memory_space<hbm>>
      %dma_start3A_265 = arith.constant 0 : i32
      %dma_start3A_266 = tpu.memref_slice %arg16[%mul3A_261, %dma_start3A_265] : memref<10240x64xf32, #tpu.memory_space<vmem_shared>> -> memref<640x64xf32, #tpu.memory_space<vmem_shared>>
      tpu.enqueue_dma source(%dma_start3A_266 : memref<640x64xf32, #tpu.memory_space<vmem_shared>>) target(%dma_start3A_264 : memref<640x64xf32, #tpu.memory_space<hbm>>) target_semaphore(%run_scoped3A : memref<!tpu.dma_semaphore, #tpu.memory_space<semaphore_mem>>)
      %dma_wait3A_267 = arith.constant 0 : i32
      %dma_wait3A_268 = tpu.memref_slice %arg4[%arg0, %mul3A_261, %dma_wait3A_267] : memref<2x10240x64xf32, #tpu.memory_space<hbm>> -> memref<1x640x64xf32, #tpu.memory_space<hbm>>
      %dma_wait3A_269 = tpu.memref_squeeze %dma_wait3A_268 : memref<1x640x64xf32, #tpu.memory_space<hbm>> -> memref<640x64xf32, #tpu.memory_space<hbm>>
      %dma_wait3A_270 = arith.constant 0 : i32
      %dma_wait3A_271 = tpu.memref_slice %arg16[%mul3A_261, %dma_wait3A_270] : memref<10240x64xf32, #tpu.memory_space<vmem_shared>> -> memref<640x64xf32, #tpu.memory_space<vmem_shared>>
      tpu.wait_dma2 semaphore(%run_scoped3A : memref<!tpu.dma_semaphore, #tpu.memory_space<semaphore_mem>>) src(%dma_wait3A_271 : memref<640x64xf32, #tpu.memory_space<vmem_shared>>) dst(%dma_wait3A_269 : memref<640x64xf32, #tpu.memory_space<hbm>>)
      tpu.yield
    }) : () -> ()
    return
  }
}

</mosaic_0001>

<sc_bundles>
// kernel: _sc_aggregate.3.cloned.1.call-start
scs
__scs_entry_jumppad:
0x0: {  	(pc) =	sbr.rel $0x88, $3  }
0x1: {  	(tag) =	ssettag $0x0;
	lr =	simm.s32 $0x1  }
0x2: {  	[smem:$0x3F9F] =	sst lr;
	_ =	strace $0xD0000000  }
0x3: {  	_ = 	snop  }
0x4: {  	_ = 	snop  }
0x5: {  	_ = 	snop  }
0x6: {  	_ = 	snop  }
0x7: {  	_ = 	snop  }
__scs_overlays_trampoline_lowered:
0x8: {  	[smem:$0x3FAE] =	sst s0  }
0x9: {  	[smem:$0x3FAF] =	sst s1  }
0xa: {  	[smem:$0x3FB0] =	sst s2  }
0xb: {  	[smem:$0x3FB1] =	sst s3  }
0xc: {  	[smem:$0x3FB2] =	sst s4  }
0xd: {  	[smem:$0x3FB3] =	sst s5  }
0xe: {  	[smem:$0x3FB4] =	sst s6  }
0xf: {  	[smem:$0x3FB5] =	sst s7  }
0x10: {  	[smem:$0x3FB6] =	sst s8  }
0x11: {  	[smem:$0x3FB7] =	sst s9;
	s0 =	simm.s32 @!p0 $0x0  }
0x12: {  	s1 =	sld [smem:$0x3F9D];
	s0 =	simm.s32 @p0 $0x1  }
0x13: {  	[smem:$0x3FB8] =	sst s0;
	s0 =	simm.s32 @!p1 $0x0  }
0x14: {  	s2 =	sld [smem:$0x3F9C];
	s0 =	simm.s32 @p1 $0x1  }
0x15: {  	[smem:$0x3FB9] =	sst s0;
	s0 =	simm.s32 @!p2 $0x0  }
0x16: {  	s3 =	sld [smem:$0x3FDB];
	s0 =	simm.s32 @p2 $0x1  }
0x17: {  	s4 =	simm.s32 $0x1BF5;
	[smem:$0x3FBB] =	sst s0  }
0x18: {  	s0 =	sld [smem:$0x3F9E];
	_ =	swait.ge [sflag:s4], $0x0  }
0x19: {  	s7 =	sld [smem:$0x3F9F]  }
0x1a: {  	s8 =	sadd.s32 $0xFFFFE003, lr  }
0x1b: {  	s9 =	sadd.s32 $0xFFFFFEF7, lr;
	s5 =	simm.s32 $0xFFFFFFFF;
	p2 =	slt.u32 s8, $0xFFFFF086  }
0x1c: {  	p1 =	slt.u32 s9, $0xF7A;
	s5 =	simm.s32 @!p2 $0x0  }
0x1d: {  	s5 =	simm.s32 @p1 $0x1;
	p0 =	seq.s32 s7, s2  }
0x1e: {  	s7 =	smul.u32 @!p0 $0xF7A, s2;
	p2 =	seq.s32 @!p0 s5, $0x0  }
0x1f: {  	s9 =	smul.u32 $0xF7A, s1;
	s8 =	simm.s32 @!p0 $0x1BF5;
	p2 =	por !p2, p0  }
0x20: {  	[sflag:s8] =	ssyncset.s32 @!p0 $0xFFFFF086;
	s6 =	sadd.s32 @!p0 s3, s7;
	s7 =	simm.s32 @!p0 $0x108  }
0x21: {  	s3 =	sadd.s32 s3, s9;
	s6 =	sadd.s32 @!p0 $0x88, s6;
	s7 =	simm.s32 @p2 $0x1082  }
0x22: {  	[simem:s7], [sflag:s8] =	dma.local @!p0 [hbm:s6], $0xF7A  }
0x23: {  	s9 =	sor.u32 $0xD0000000, s2;
	s6 =	simm.s32 $0x108;
	_ =	swait.ge @!p0 [sflag:s8], $0x0  }
0x24: {  	s3 =	sadd.s32 $0x88, s3;
	s6 =	simm.s32 @!p1 $0x1082;
	[sflag:s4] =	ssyncset.s32 $0xFFFFF086  }
0x25: {  	[simem:s6], [sflag:s4] =	dma.local [hbm:s3], $0xF7A  }
0x26: {  	[smem:$0x3F9F] =	sst s1;
	(tag) =	ssettag s2;
	_ =	strace s9  }
0x27: {  	s1 =	sld [smem:$0x3FAF]  }
0x28: {  	s2 =	sld [smem:$0x3FB0]  }
0x29: {  	s4 =	sld [smem:$0x3FB2]  }
0x2a: {  	p0 =	seq.s32 s5, $0x0;
	s5 =	sld [smem:$0x3FB3]  }
0x2b: {  	s6 =	sld [smem:$0x3FB4]  }
0x2c: {  	s7 =	sld [smem:$0x3FB5]  }
0x2d: {  	s3 =	simm.s32 $0x108;
	s8 =	sld [smem:$0x3FB6]  }
0x2e: {  	s3 =	simm.s32 @!p0 $0x1082;
	s9 =	sld [smem:$0x3FB7]  }
0x2f: {  	lr =	sadd.s32 s0, s3;
	s0 =	sld [smem:$0x3FAE]  }
0x30: {  	s3 =	sld [smem:$0x3FB1]  }
0x31: {  	[smem:$0x3FBA] =	sst s10  }
0x32: {  	s10 =	sld [smem:$0x3FB8];
	_ =	sdelay $0x3  }
0x33: {  	p0 =	seq.s32 s10, $0x1;
	s10 =	sld [smem:$0x3FBA];
	_ =	sdelay $0x3  }
0x34: {  	[smem:$0x3FBA] =	sst s10  }
0x35: {  	s10 =	sld [smem:$0x3FB9];
	_ =	sdelay $0x3  }
0x36: {  	p1 =	seq.s32 s10, $0x1;
	s10 =	sld [smem:$0x3FBA];
	_ =	sdelay $0x3  }
0x37: {  	[smem:$0x3FBA] =	sst s10  }
0x38: {  	s10 =	sld [smem:$0x3FBB]  }
0x39: {  	_ = 	snop;
	(pc) =	sbr.ind lr, $3  }
0x3a: {  	_ = 	snop  }
0x3b: {  	_ = 	snop  }
0x3c: {  	p2 =	seq.s32 s10, $0x1;
	s10 =	sld [smem:$0x3FBA]  }
0x3d: {  	_ =	shalt  }
0x3e: {  	_ =	shalt  }
0x3f: {  	_ =	shalt  }
0x40: {  	_ =	shalt  }
0x41: {  	_ =	shalt  }
0x42: {  	_ =	shalt  }
0x43: {  	_ =	shalt  }
0x44: {  	_ =	shalt  }
0x45: {  	_ =	shalt  }
0x46: {  	_ =	shalt  }
0x47: {  	_ =	shalt  }
0x48: {  	_ =	shalt  }
0x49: {  	_ =	shalt  }
0x4a: {  	_ =	shalt  }
0x4b: {  	_ =	shalt  }
0x4c: {  	_ =	shalt  }
0x4d: {  	_ =	shalt  }
0x4e: {  	_ =	shalt  }
0x4f: {  	_ =	shalt  }
0x50: {  	_ =	shalt  }
0x51: {  	_ =	shalt  }
0x52: {  	_ =	shalt  }
0x53: {  	_ =	shalt  }
0x54: {  	_ =	shalt  }
0x55: {  	_ =	shalt  }
0x56: {  	_ =	shalt  }
0x57: {  	_ =	shalt  }
0x58: {  	_ =	shalt  }
0x59: {  	_ =	shalt  }
0x5a: {  	_ =	shalt  }
0x5b: {  	_ =	shalt  }
0x5c: {  	_ =	shalt  }
0x5d: {  	_ =	shalt  }
0x5e: {  	_ =	shalt  }
0x5f: {  	_ =	shalt  }
0x60: {  	_ =	shalt  }
0x61: {  	_ =	shalt  }
0x62: {  	_ =	shalt  }
0x63: {  	_ =	shalt  }
0x64: {  	_ =	shalt  }
0x65: {  	_ =	shalt  }
0x66: {  	_ =	shalt  }
0x67: {  	_ =	shalt  }
0x68: {  	_ =	shalt  }
0x69: {  	_ =	shalt  }
0x6a: {  	_ =	shalt  }
0x6b: {  	_ =	shalt  }
0x6c: {  	_ =	shalt  }
0x6d: {  	_ =	shalt  }
0x6e: {  	_ =	shalt  }
0x6f: {  	_ =	shalt  }
0x70: {  	_ =	shalt  }
0x71: {  	_ =	shalt  }
0x72: {  	_ =	shalt  }
0x73: {  	_ =	shalt  }
0x74: {  	_ =	shalt  }
0x75: {  	_ =	shalt  }
0x76: {  	_ =	shalt  }
0x77: {  	_ =	shalt  }
0x78: {  	_ =	shalt  }
0x79: {  	_ =	shalt  }
0x7a: {  	_ =	shalt  }
0x7b: {  	_ =	shalt  }
0x7c: {  	_ =	shalt  }
0x7d: {  	_ =	shalt  }
0x7e: {  	_ =	shalt  }
0x7f: {  	_ =	shalt  }
0x80: {  	_ =	shalt  }
0x81: {  	_ =	shalt  }
0x82: {  	_ =	shalt  }
0x83: {  	_ =	shalt  }
0x84: {  	_ =	shalt  }
0x85: {  	_ =	shalt  }
0x86: {  	_ =	shalt  }
0x87: {  	_ =	shalt  }
.Lfunc_end0:
.L_simem_size_0:
called_computation_lowered:
.L_overlay_start_0:
0x88: {  	s2 =	sld [smem:$0x3FD9]  }
0x89: {  	s3 =	sld [smem:$0x3FFE];
	_ =	sdelay $0x1  }
0x8a: {  	s1 =	srdreg.scid  }
0x8b: {  	s0 =	sand.u32 $0x1, s1  }
0x8c: {  	s14 =	sshll.u32 s0, $0xA;
	s2 =	sadd.s32 s3, s2  }
0x8d: {  	s2 =	sadd.s32 s2, s14  }
0x8e: {  	[smem:$0x3FC6] =	sst s2  }
0x8f: {  	_ = 	snop  }
0x90: {  	s2 =	sld [smem:$0x3FD0];
	_ =	sdelay $0x2  }
0x91: {  	s15 =	simm.s32 $0xA;
	s4 =	simm.s32 $0x10  }
0x92: {  	[smem:s4], [sflag:s15] =	dma.local [hbm:s2], $0x1  }
0x93: {  	_ =	swait.eq [sflag:s15], $0x1  }
0x94: {  	[sflag:s15] =	ssyncset.done $0x0  }
0x95: {  	s16 =	sld [smem:$0x10];
	[sflag:s15] =	ssyncadd.s32 $0xFFFFFFFF  }
0x96: {  	s17 =	sld [smem:$0x11];
	(tm) =	ssettm $0x1  }
0x97: {  	s18 =	sld [smem:$0x3FFB];
	_ =	sdelay $0x3  }
0x98: {  	_ =	strace s18  }
0x99: {  	s4 =	sld [smem:$0x3FFC];
	_ =	sdelay $0x3  }
0x9a: {  	_ =	strace s4  }
0x9b: {  	s4 =	sld [smem:$0x3FFD];
	_ =	sdelay $0x3  }
0x9c: {  	_ =	strace s4  }
0x9d: {  	_ =	strace $0x8FFFFFFF  }
0x9e: {  	s19 =	sld [smem:$0x3FDB];
	_ =	sdelay $0x1  }
0x9f: {  	s5 =	simm.s32 $_scs_section_size  }
0xa0: {  	s6 =	simm.s32 $_size__tile_overlayer_lowered;
	s7 =	simm.s32 $_tile_overlayer_lowered  }
0xa1: {  	s22 =	simm.s32 $0x1BFF;
	s21 =	sshll.u32 s7, $0x1;
	s4 =	sadd.s32 s5, s19  }
0xa2: {  	s8 =	simm.s32 $0x0;
	s20 =	sshll.u32 s6, $0x1;
	s6 =	sadd.s32 s21, s4  }
0xa3: {  	[timem:s8], [sflag:s22] =	dma.local [hbm:s6], s20  }
0xa4: {  	_ =	swait.ge [sflag:s22], s20  }
0xa5: {  	s5 =	ssub.s32 $0x0, s20;
	[sflag:s22] =	ssyncset.done $0x0  }
0xa6: {  	[sflag:s22] =	ssyncadd.s32 s5;
	_ =	sdelay $0x1  }
0xa7: {  	s23 =	simm.s32 $0x1B8B  }
0xa8: {  	_ =	swait.ge [sflag:s23], $0x1  }
0xa9: {  	[sflag:s23] =	ssyncset.done $0x0  }
0xaa: {  	s25 =	simm.s32 $0x1B8E;
	s24 =	sld [smem:$0x3FFE];
	[sflag:s23] =	ssyncadd.s32 $0xFFFFFFFF  }
0xab: {  	s26 =	simm.s32 $execute0_lowered;
	[smem:$0x3FD2] =	sst s25  }
0xac: {  	s6 =	sshll.u32 s26, $0x1;
	_ =	strace $0x80000046;
	[dreg:$0x1] =	wrdreg $0xFFFFFFFF  }
0xad: {  	s28 =	simm.s32 $_size_execute0_lowered;
	s4 =	sadd.s32 s4, s6;
	[dreg:$0x0] =	wrdreg $0x0  }
0xae: {  	s6 =	sshll.u32 s28, $0x1;
	[dreg:$0x2] =	wrdreg s4  }
0xaf: {  	[dreg:$0x3] =	wrdreg s6  }
0xb0: {  	[dreg:$0x4] =	wrdreg $0xC0  }
0xb1: {  	_ =	task [dreg:s8], $0x5FFFF  }
0xb2: {  	[dreg:$0x1] =	wrdreg $0xFFFFFFFF  }
0xb3: {  	[dreg:$0x0] =	wrdreg $0x60  }
0xb4: {  	[dreg:$0x2] =	wrdreg s24  }
0xb5: {  	[dreg:$0x3] =	wrdreg s16  }
0xb6: {  	[dreg:$0x4] =	wrdreg s17  }
0xb7: {  	[dreg:$0x5] =	wrdreg $0x145C00  }
0xb8: {  	[dreg:$0x6] =	wrdreg $0x9  }
0xb9: {  	_ =	task.clear_ibuf [dreg:s8], $0x7FFFF;
	_ =	strace $0x90000046  }
0xba: {  	s29 =	simm.s32 $0x9;
	_ =	strace $0x80000048  }
0xbb: {  	_ =	swait.ge [sflag:s29], $0x1  }
0xbc: {  	[sflag:s29] =	ssyncadd.s32 $0xFFFFFFFF  }
0xbd: {  	_ =	strace $0x90000048  }
0xbe: {  	_ =	sfence  }
0xbf: {  	s30 =	sld [smem:$0x0];
	_ =	sdelay $0x2  }
0xc0: {  	s31 =	sshll.u32 s1, $0xD;
	s1 =	sshrl.u32 s1, $0x2  }
0xc1: {  	s3 =	sand.u32 $0x4000, s31;
	s1 =	sadd.s32 s1, s30  }
0xc2: {  	s0 =	sor.u32 s3, s0;
	s1 =	sshll.u32 s1, $0x11  }
0xc3: {  	s0 =	sor.u32 s1, s0  }
0xc4: {  	s0 =	sadd.s32 $0x8F2B, s0  }
0xc5: {  	[sflag:s0] =	ssyncadd.remote.s32 $0x1  }
0xc6: {  	_ =	sfence.sel $0xFFFF  }
0xc7: {  	[dreg:$0x0] =	wrdreg $0xFFFFFFFF;
	(pc) =	sbr.abs _section_cstart, $3  }
0xc8: {  	[dreg:$0x1] =	wrdreg $0xFFFFFFFF  }
0xc9: {  	_ =	task.clear_ibuf [dreg:s8], $0x2FFFF;
	_ =	strace $0x9FFFFFFF  }
0xca: {  	(tm) =	ssettm $0x7FFFFFFF  }
0xcb: {  	_ =	shalt  }
tec
execute0_lowered:
.L_overlay_start_1:
0x0: {  	(tag) =	ssettag $0x1  }
0x1: {  	s0 =	rddreg [dreg:$0x0]  }
0x2: {  	s1 =	rddreg [dreg:$0x1]  }
0x3: {  	s6 =	rddreg [dreg:$0x2]  }
0x4: {  	s2 =	rddreg [dreg:$0x3];
	s3 =	simm.s32 $0x0  }
0x5: {  	s12 =	stileid.u32;
	s5 =	srdreg.scid;
	s15 =	simm.s32 $0xFDC0  }
0x6: {  	s17 =	simm.s32 $0x4;
	s18 =	simm.s32 $0x1;
	s19 =	simm.s32 $0x2  }
0x7: {  	s20 =	simm.s32 $0x80;
	s28 =	simm.s32 $0x11DC0;
	s4 =	smul.u32 $0x4E20, s12  }
0x8: {  	s29 =	simm.s32 $0x3;
	s30 =	simm.s32 $0x5;
	s21 =	smul.u32 $0x28000, s12  }
0x9: {  	s31 =	simm.s32 $0x6;
	[smem:$0x7FF] =	sst s3;
	s9 =	smul.u32 $0xA000, s12  }
0xa: {  	s16 =	sand.u32 $0x1, s5;
	s12 =	smul.u32 $0x500, s12;
	_ =	strace $0x80000047  }
0xb: {  	s22 =	ssub.s32 $0x2, s16;
	s11 =	smul.u32 $0xA0000, s16;
	p0 =	sne.s32 s16, $0x0  }
0xc: {  	v0 =	vmov s16;
	s16 =	simm.s32 $0x7;
	s7 =	sshrl.u32 s4, $0x3;
	s4 =	sadd.s32 $0xC00, s0  }
0xd: {  	s8 =	sshrl.u32 s22, $0x1;
	s5 =	sshrl.u32 s21, $0x2;
	s12 =	sadd.s32 s6, s12  }
0xe: {  	s21 =	simm.s32 $0x9C40;
	s0 =	sadd.s32 s7, s0;
	s14 =	ssub.s32 s22, s8  }
0xf: {  	s10 =	sadd.s32 s5, s2;
	s5 =	sadd.s32 s9, s2;
	s11 =	sadd.s32 s9, s11  }
0x10: {  	s22 =	simm.s32 $0x9DC0;
	s23 =	sadd.s32 $0x2000, s10;
	s24 =	sadd.s32 $0x4000, s10  }
0x11: {  	s25 =	sadd.s32 $0x6000, s10;
	s26 =	sadd.s32 $0x8000, s10;
	[dreg:$0x5] =	wrdreg s23  }
0x12: {  	s10 =	sadd.s32 $0x27E00, s0;
	s13 =	sshrl.u32 s11, $0x3;
	[dreg:$0x6] =	wrdreg s24  }
0x13: {  	s11 =	sadd.s32 $0x31A40, s0;
	s14 =	smax.u32 s14, $0x1;
	[dreg:$0x7] =	wrdreg s25  }
0x14: {  	s0 =	simm.s32 $0x20;
	[dreg:$0x8] =	wrdreg s26;
	s13 =	sadd.s32 s1, s13  }
0x15: {  	v1 =	vimm.f32 $0.0e+00;
	v2 =	vimm.f32 $1.000000000e+00;
	s24 =	simm.s32 $0xBDC0;
	s25 =	simm.s32 $0x9D40;
	s26 =	simm.s32 $0xDDC0  }
.LBB2_1:
0x16: {  	s6 =	simm.s32 $0x100;
	s1 =	simm.s32 $0x0  }
.LBB2_2:
0x17: {  	p1 =	sne.s32 s6, $0x7F00;
	[tilespmem:s1+$0xFDF0] =	vst v1;
	s23 =	smov.u32 s6;
	s6 =	sadd.s32 $0x100, s6  }
.Ltmp0:
0x18: {  	[tilespmem:s1+$0xFDE0] =	vst v1;
	(pc) =	sbr.rel @p1 .LBB2_2-.Ltmp0, $3  }
0x19: {  	[tilespmem:s1+$0xFDC0] =	vst v1  }
0x1a: {  	[tilespmem:s1+$0xFDD0] =	vst v1;
	_ =	sdelay $0x1  }
0x1b: {  	s1 =	sshra.s32 s23, $0x2  }
0x1c: {  	[tilespmem:s1+$0xFDF0] =	vst v1  }
0x1d: {  	[tilespmem:s1+$0xFDE0] =	vst v1  }
0x1e: {  	[tilespmem:s1+$0xFDC0] =	vst v1  }
0x1f: {  	[tilespmem:s1+$0xFDD0] =	vst v1  }
0x20: {  	[spmem:s5] =	stream.linear.scatter [tilespmem:s15], [sflag:$0x4], $0x2000, $0x38;
	[tilespmem:$0x1E5C0] =	vst v63  }
0x21: {  	s6 =	rddreg [dreg:$0x5]  }
0x22: {  	[spmem:s6] =	stream.linear.scatter [tilespmem:s15], [sflag:$0x4], $0x2000, $0x38;
	[tilespmem:$0x1E5C0] =	vst v63  }
0x23: {  	s7 =	rddreg [dreg:$0x6]  }
0x24: {  	[spmem:s7] =	stream.linear.scatter [tilespmem:s15], [sflag:$0x4], $0x2000, $0x38;
	[tilespmem:$0x1E5C0] =	vst v63  }
0x25: {  	s8 =	rddreg [dreg:$0x7]  }
0x26: {  	[spmem:s8] =	stream.linear.scatter [tilespmem:s15], [sflag:$0x4], $0x2000, $0x38;
	[tilespmem:$0x1E5C0] =	vst v63  }
0x27: {  	s9 =	rddreg [dreg:$0x8]  }
0x28: {  	[spmem:s9] =	stream.linear.scatter [tilespmem:s15], [sflag:$0x4], $0x2000, $0x38;
	[tilespmem:$0x1E5C0] =	vst v63  }
0x29: {  	s23 =	simm.s32 $0x0  }
0x2a: {  	[tilespmem:s23], [sflag:$0x1] =	stream.linear.gather [hbm4b:s10+s23], $0x4E20, $0x38;
	[tilespmem:$0x1E5C0] =	vst v63  }
0x2b: {  	s6 =	simm.s32 $0x4E20  }
0x2c: {  	[tilespmem:s6], [sflag:$0x2] =	stream.linear.gather [hbm4b:s11+s23], $0x4E20, $0x38;
	[tilespmem:$0x1E5C0] =	vst v63  }
0x2d: {  	s1 =	simm.s32 $0x40;
	s6 =	simm.s32 $0x0  }
.LBB2_4:
0x2e: {  	p1 =	sne.s32 s1, $0x9FC0;
	[tilespmem:s6+$0x11DC0] =	vst v1;
	s6 =	smov.u32 s1;
	s1 =	sadd.s32 $0x40, s1  }
.Ltmp1:
0x2f: {  	(pc) =	sbr.rel @p1 .LBB2_4-.Ltmp1, $2  }
0x30: {  	_ =	sdelay $0x2  }
0x31: {  	s6 =	sshra.s32 s6, $0x2  }
0x32: {  	[tilespmem:s6+$0x11DC0] =	vst v1  }
0x33: {  	_ =	swait.ge [sflag:s17], $0x2000  }
0x34: {  	[sflag:s17] =	ssyncset.done $0x0  }
0x35: {  	[sflag:s17] =	ssyncadd.s32 $0xFFFFE000  }
0x36: {  	_ =	swait.ge [sflag:s17], $0x2000  }
0x37: {  	[sflag:s17] =	ssyncset.done $0x0  }
0x38: {  	[sflag:s17] =	ssyncadd.s32 $0xFFFFE000  }
0x39: {  	_ =	swait.ge [sflag:s17], $0x2000  }
0x3a: {  	[sflag:s17] =	ssyncset.done $0x0  }
0x3b: {  	[sflag:s17] =	ssyncadd.s32 $0xFFFFE000  }
0x3c: {  	_ =	swait.ge [sflag:s17], $0x2000  }
0x3d: {  	[sflag:s17] =	ssyncset.done $0x0  }
0x3e: {  	[sflag:s17] =	ssyncadd.s32 $0xFFFFE000  }
0x3f: {  	_ =	swait.ge [sflag:s17], $0x2000  }
0x40: {  	[sflag:s17] =	ssyncset.done $0x0  }
0x41: {  	[sflag:s17] =	ssyncadd.s32 $0xFFFFE000  }
0x42: {  	_ =	swait.ge [sflag:s18], $0x4E20  }
0x43: {  	[sflag:s18] =	ssyncset.done $0x0  }
0x44: {  	[sflag:s18] =	ssyncadd.s32 $0xFFFFB1E0  }
0x45: {  	_ =	swait.ge [sflag:s19], $0x4E20  }
0x46: {  	[sflag:s19] =	ssyncset.done $0x0  }
0x47: {  	[sflag:s19] =	ssyncadd.s32 $0xFFFFB1E0  }
0x48: {  	[bflag:$0x0] =	sbarrier.arrive $0xFFFF  }
0x49: {  	v3 =	vld [tilespmem:$0x0]  }
0x4a: {  	v4 =	vld [tilespmem:$0x10]  }
0x4b: {  	v5 =	vld [tilespmem:$0x20]  }
0x4c: {  	v6 =	vld [tilespmem:$0x30]  }
0x4d: {  	v7 =	vld [tilespmem:$0x40]  }
0x4e: {  	v8 =	vld [tilespmem:$0x50];
	v3 =	vshll.u32 v3, $0x1  }
0x4f: {  	v9 =	vld [tilespmem:$0x60];
	v4 =	vshll.u32 v4, $0x1;
	v3 =	vor.u32 v0, v3  }
0x50: {  	v45 =	vld [tilespmem:$0x70];
	v44 =	vshll.u32 v5, $0x1;
	[tilespmem:$0x9C40] =	vst v3;
	v3 =	vor.u32 v0, v4  }
0x51: {  	v46 =	vshll.u32 v6, $0x1;
	[tilespmem:$0x9C50] =	vst v3;
	v3 =	vor.u32 v0, v44  }
0x52: {  	v47 =	vshll.u32 v7, $0x1;
	[tilespmem:$0x9C60] =	vst v3;
	v3 =	vor.u32 v0, v46  }
0x53: {  	v48 =	vshll.u32 v8, $0x1;
	[tilespmem:$0x9C70] =	vst v3;
	v3 =	vor.u32 v0, v47  }
0x54: {  	v49 =	vshll.u32 v9, $0x1;
	[tilespmem:$0x9C80] =	vst v3;
	v3 =	vor.u32 v0, v48  }
0x55: {  	v50 =	vshll.u32 v45, $0x1;
	[tilespmem:$0x9C90] =	vst v3;
	v3 =	vor.u32 v0, v49  }
0x56: {  	[tilespmem:$0x9CA0] =	vst v3;
	v3 =	vor.u32 v0, v50  }
0x57: {  	[tilespmem:$0x9CB0] =	vst v3  }
0x58: {  	[tilespmem:s22], [sflag:$0x1] =	stream.indirect.gather [hbm4b:s4+s20], $0x40, s21, s20, $0xb8;
	[tilespmem:$0x1E5C0] =	vst v63  }
0x59: {  	v3 =	vld [tilespmem:$0x80]  }
0x5a: {  	v51 =	vld [tilespmem:$0x90]  }
0x5b: {  	v52 =	vld [tilespmem:$0xA0]  }
0x5c: {  	v53 =	vld [tilespmem:$0xB0]  }
0x5d: {  	v54 =	vld [tilespmem:$0xC0]  }
0x5e: {  	v55 =	vld [tilespmem:$0xD0];
	v3 =	vshll.u32 v3, $0x1  }
0x5f: {  	v56 =	vld [tilespmem:$0xE0];
	v4 =	vshll.u32 v51, $0x1;
	v3 =	vor.u32 v0, v3  }
0x60: {  	v58 =	vld [tilespmem:$0xF0];
	v57 =	vshll.u32 v52, $0x1;
	[tilespmem:$0x9CC0] =	vst v3;
	v3 =	vor.u32 v0, v4  }
0x61: {  	v59 =	vshll.u32 v53, $0x1;
	[tilespmem:$0x9CD0] =	vst v3;
	v3 =	vor.u32 v0, v57  }
0x62: {  	v60 =	vshll.u32 v54, $0x1;
	[tilespmem:$0x9CE0] =	vst v3;
	v3 =	vor.u32 v0, v59  }
0x63: {  	v61 =	vshll.u32 v55, $0x1;
	[tilespmem:$0x9CF0] =	vst v3;
	v3 =	vor.u32 v0, v60  }
0x64: {  	v62 =	vshll.u32 v56, $0x1;
	[tilespmem:$0x9D00] =	vst v3;
	v3 =	vor.u32 v0, v61  }
0x65: {  	v63 =	vshll.u32 v58, $0x1;
	[tilespmem:$0x9D10] =	vst v3;
	v3 =	vor.u32 v0, v62  }
0x66: {  	[tilespmem:$0x9D20] =	vst v3;
	v3 =	vor.u32 v0, v63  }
0x67: {  	s1 =	simm.s32 $0x9CC0;
	s23 =	simm.s32 $0x0;
	[tilespmem:$0x9D30] =	vst v3  }
0x68: {  	[tilespmem:s24], [sflag:$0x2] =	stream.indirect.gather [hbm4b:s4+s20], $0x40, s1, s20, $0xb8;
	[tilespmem:$0x1E5C0] =	vst v63  }
.LBB2_6:
0x69: {  	_ =	swait.ge [sflag:s18], $0x2000  }
0x6a: {  	p1 =	seq.s32 s23, $0x0;
	[sflag:s18] =	ssyncset.done $0x0  }
0x6b: {  	s1 =	simm.s32 @!p1 $0x6;
	[sflag:s18] =	ssyncadd.s32 $0xFFFFE000  }
0x6c: {  	_ =	swait.ge @!p1 [sflag:s1], $0x2000  }
0x6d: {  	[sflag:s1] =	ssyncset.done @!p1 $0x0  }
0x6e: {  	[sflag:s1] =	ssyncadd.s32 @!p1 $0xFFFFE000;
	s1 =	sshra.s32 s23, $0x2  }
0x6f: {  	v3 =	vld [tilespmem:s1+$0x100];
	_ =	sdelay $0x4  }
0x70: {  	v3 =	vshll.u32 v3, $0x1  }
0x71: {  	v3 =	vor.u32 v0, v3  }
0x72: {  	[tilespmem:$0x9D40] =	vst v3  }
0x73: {  	v3 =	vld [tilespmem:s1+$0x110];
	_ =	sdelay $0x4  }
0x74: {  	v3 =	vshll.u32 v3, $0x1  }
0x75: {  	v3 =	vor.u32 v0, v3  }
0x76: {  	[tilespmem:$0x9D50] =	vst v3  }
0x77: {  	v3 =	vld [tilespmem:s1+$0x120];
	_ =	sdelay $0x4  }
0x78: {  	v3 =	vshll.u32 v3, $0x1  }
0x79: {  	v3 =	vor.u32 v0, v3  }
0x7a: {  	[tilespmem:$0x9D60] =	vst v3  }
0x7b: {  	v3 =	vld [tilespmem:s1+$0x130];
	_ =	sdelay $0x4  }
0x7c: {  	v3 =	vshll.u32 v3, $0x1  }
0x7d: {  	v3 =	vor.u32 v0, v3  }
0x7e: {  	[tilespmem:$0x9D70] =	vst v3  }
0x7f: {  	v3 =	vld [tilespmem:s1+$0x140];
	_ =	sdelay $0x4  }
0x80: {  	v3 =	vshll.u32 v3, $0x1  }
0x81: {  	v3 =	vor.u32 v0, v3  }
0x82: {  	[tilespmem:$0x9D80] =	vst v3  }
0x83: {  	v3 =	vld [tilespmem:s1+$0x150];
	_ =	sdelay $0x4  }
0x84: {  	v3 =	vshll.u32 v3, $0x1  }
0x85: {  	v3 =	vor.u32 v0, v3  }
0x86: {  	[tilespmem:$0x9D90] =	vst v3  }
0x87: {  	v3 =	vld [tilespmem:s1+$0x160];
	_ =	sdelay $0x4  }
0x88: {  	v3 =	vshll.u32 v3, $0x1  }
0x89: {  	v3 =	vor.u32 v0, v3  }
0x8a: {  	[tilespmem:$0x9DA0] =	vst v3  }
0x8b: {  	v3 =	vld [tilespmem:s1+$0x170];
	_ =	sdelay $0x4  }
0x8c: {  	v3 =	vshll.u32 v3, $0x1  }
0x8d: {  	v3 =	vor.u32 v0, v3  }
0x8e: {  	[tilespmem:$0x9DB0] =	vst v3  }
0x8f: {  	[tilespmem:s26], [sflag:$0x3] =	stream.indirect.gather [hbm4b:s4+s20], $0x40, s25, s20, $0xb8;
	[tilespmem:$0x1E5C0] =	vst v63  }
0x90: {  	s6 =	sadd.s32 $0x4E20, s1  }
0x91: {  	[spmem:s2] =	stream.indirect.scatter.add.f32 [tilespmem:s22], [sflag:$0x4], $0x40, s6, s20, $0xb8;
	[tilespmem:$0x1E5C0] =	vst v63  }
0x92: {  	v3 =	vld [tilespmem:s1+$0x4E20];
	_ =	sdelay $0x7  }
0x93: {  	[tilespmem:v3+s28+$0x0] =	vst.idx.add.f32.msk $0xffff, v2  }
0x94: {  	v3 =	vld [tilespmem:s1+$0x4E30];
	_ =	sdelay $0x7  }
0x95: {  	[tilespmem:v3+s28+$0x0] =	vst.idx.add.f32.msk $0xffff, v2  }
0x96: {  	v3 =	vld [tilespmem:s1+$0x4E40];
	_ =	sdelay $0x7  }
0x97: {  	[tilespmem:v3+s28+$0x0] =	vst.idx.add.f32.msk $0xffff, v2  }
0x98: {  	v3 =	vld [tilespmem:s1+$0x4E50];
	_ =	sdelay $0x7  }
0x99: {  	[tilespmem:v3+s28+$0x0] =	vst.idx.add.f32.msk $0xffff, v2  }
0x9a: {  	v3 =	vld [tilespmem:s1+$0x4E60];
	_ =	sdelay $0x7  }
0x9b: {  	[tilespmem:v3+s28+$0x0] =	vst.idx.add.f32.msk $0xffff, v2  }
0x9c: {  	v3 =	vld [tilespmem:s1+$0x4E70];
	_ =	sdelay $0x7  }
0x9d: {  	[tilespmem:v3+s28+$0x0] =	vst.idx.add.f32.msk $0xffff, v2  }
0x9e: {  	v3 =	vld [tilespmem:s1+$0x4E80];
	_ =	sdelay $0x7  }
0x9f: {  	[tilespmem:v3+s28+$0x0] =	vst.idx.add.f32.msk $0xffff, v2  }
0xa0: {  	v3 =	vld [tilespmem:s1+$0x4E90];
	_ =	sdelay $0x7  }
0xa1: {  	[tilespmem:v3+s28+$0x0] =	vst.idx.add.f32.msk $0xffff, v2  }
0xa2: {  	_ =	swait.ge [sflag:s19], $0x2000  }
0xa3: {  	[sflag:s19] =	ssyncset.done $0x0  }
0xa4: {  	[sflag:s19] =	ssyncadd.s32 $0xFFFFE000  }
0xa5: {  	_ =	swait.ge [sflag:s17], $0x2000  }
0xa6: {  	p1 =	seq.s32 s23, $0x13200;
	[sflag:s17] =	ssyncset.done $0x0  }
0xa7: {  	s6 =	sshra.s32 @!p1 s23, $0x2;
	[sflag:s17] =	ssyncadd.s32 $0xFFFFE000  }
0xa8: {  	v3 =	vld @!p1 [tilespmem:s6+$0x180];
	_ =	sdelay $0x4  }
0xa9: {  	v3 =	vshll.u32 @!p1 v3, $0x1  }
0xaa: {  	v3 =	vor.u32 @!p1 v0, v3  }
0xab: {  	[tilespmem:$0x9C40] =	vst @!p1 v3  }
0xac: {  	v3 =	vld @!p1 [tilespmem:s6+$0x190];
	_ =	sdelay $0x4  }
0xad: {  	v3 =	vshll.u32 @!p1 v3, $0x1  }
0xae: {  	v3 =	vor.u32 @!p1 v0, v3  }
0xaf: {  	[tilespmem:$0x9C50] =	vst @!p1 v3  }
0xb0: {  	v3 =	vld @!p1 [tilespmem:s6+$0x1A0];
	_ =	sdelay $0x4  }
0xb1: {  	v3 =	vshll.u32 @!p1 v3, $0x1  }
0xb2: {  	v3 =	vor.u32 @!p1 v0, v3  }
0xb3: {  	[tilespmem:$0x9C60] =	vst @!p1 v3  }
0xb4: {  	v3 =	vld @!p1 [tilespmem:s6+$0x1B0];
	_ =	sdelay $0x4  }
0xb5: {  	v3 =	vshll.u32 @!p1 v3, $0x1  }
0xb6: {  	v3 =	vor.u32 @!p1 v0, v3  }
0xb7: {  	[tilespmem:$0x9C70] =	vst @!p1 v3  }
0xb8: {  	v3 =	vld @!p1 [tilespmem:s6+$0x1C0];
	_ =	sdelay $0x4  }
0xb9: {  	v3 =	vshll.u32 @!p1 v3, $0x1  }
0xba: {  	v3 =	vor.u32 @!p1 v0, v3  }
0xbb: {  	[tilespmem:$0x9C80] =	vst @!p1 v3  }
0xbc: {  	v3 =	vld @!p1 [tilespmem:s6+$0x1D0];
	_ =	sdelay $0x4  }
0xbd: {  	v3 =	vshll.u32 @!p1 v3, $0x1  }
0xbe: {  	v3 =	vor.u32 @!p1 v0, v3  }
0xbf: {  	[tilespmem:$0x9C90] =	vst @!p1 v3  }
0xc0: {  	v3 =	vld @!p1 [tilespmem:s6+$0x1E0];
	_ =	sdelay $0x4  }
0xc1: {  	v3 =	vshll.u32 @!p1 v3, $0x1  }
0xc2: {  	v3 =	vor.u32 @!p1 v0, v3  }
0xc3: {  	[tilespmem:$0x9CA0] =	vst @!p1 v3  }
0xc4: {  	v3 =	vld @!p1 [tilespmem:s6+$0x1F0];
	_ =	sdelay $0x4  }
0xc5: {  	v3 =	vshll.u32 @!p1 v3, $0x1  }
0xc6: {  	v3 =	vor.u32 @!p1 v0, v3  }
0xc7: {  	s7 =	simm.s32 @!p1 $0x80;
	s8 =	simm.s32 @!p1 $0x9C40;
	s9 =	simm.s32 @!p1 $0x9DC0;
	[tilespmem:$0x9CB0] =	vst @!p1 v3  }
0xc8: {  	[tilespmem:s9], [sflag:$0x1] =	stream.indirect.gather @!p1 [hbm4b:s4+s7], $0x40, s8, s7, $0xb8;
	[tilespmem:$0x1E5C0] =	vst v63  }
0xc9: {  	s9 =	sadd.s32 $0x4EA0, s1  }
0xca: {  	[spmem:s2] =	stream.indirect.scatter.add.f32 [tilespmem:s24], [sflag:$0x5], $0x40, s9, s20, $0xb8;
	[tilespmem:$0x1E5C0] =	vst v63  }
0xcb: {  	v3 =	vld [tilespmem:s1+$0x4EA0];
	_ =	sdelay $0x7  }
0xcc: {  	[tilespmem:v3+s28+$0x0] =	vst.idx.add.f32.msk $0xffff, v2  }
0xcd: {  	v3 =	vld [tilespmem:s1+$0x4EB0];
	_ =	sdelay $0x7  }
0xce: {  	[tilespmem:v3+s28+$0x0] =	vst.idx.add.f32.msk $0xffff, v2  }
0xcf: {  	v3 =	vld [tilespmem:s1+$0x4EC0];
	_ =	sdelay $0x7  }
0xd0: {  	[tilespmem:v3+s28+$0x0] =	vst.idx.add.f32.msk $0xffff, v2  }
0xd1: {  	v3 =	vld [tilespmem:s1+$0x4ED0];
	_ =	sdelay $0x7  }
0xd2: {  	[tilespmem:v3+s28+$0x0] =	vst.idx.add.f32.msk $0xffff, v2  }
0xd3: {  	v3 =	vld [tilespmem:s1+$0x4EE0];
	_ =	sdelay $0x7  }
0xd4: {  	[tilespmem:v3+s28+$0x0] =	vst.idx.add.f32.msk $0xffff, v2  }
0xd5: {  	v3 =	vld [tilespmem:s1+$0x4EF0];
	_ =	sdelay $0x7  }
0xd6: {  	[tilespmem:v3+s28+$0x0] =	vst.idx.add.f32.msk $0xffff, v2  }
0xd7: {  	v3 =	vld [tilespmem:s1+$0x4F00];
	_ =	sdelay $0x7  }
0xd8: {  	[tilespmem:v3+s28+$0x0] =	vst.idx.add.f32.msk $0xffff, v2  }
0xd9: {  	v3 =	vld [tilespmem:s1+$0x4F10];
	_ =	sdelay $0x7  }
0xda: {  	[tilespmem:v3+s28+$0x0] =	vst.idx.add.f32.msk $0xffff, v2  }
0xdb: {  	_ =	swait.ge [sflag:s29], $0x2000  }
0xdc: {  	[sflag:s29] =	ssyncset.done $0x0  }
0xdd: {  	[sflag:s29] =	ssyncadd.s32 $0xFFFFE000  }
0xde: {  	_ =	swait.ge [sflag:s30], $0x2000  }
0xdf: {  	[sflag:s30] =	ssyncset.done $0x0  }
0xe0: {  	[sflag:s30] =	ssyncadd.s32 $0xFFFFE000  }
0xe1: {  	v3 =	vld @!p1 [tilespmem:s6+$0x200];
	_ =	sdelay $0x4  }
0xe2: {  	v3 =	vshll.u32 @!p1 v3, $0x1  }
0xe3: {  	v3 =	vor.u32 @!p1 v0, v3  }
0xe4: {  	[tilespmem:$0x9CC0] =	vst @!p1 v3  }
0xe5: {  	v3 =	vld @!p1 [tilespmem:s6+$0x210];
	_ =	sdelay $0x4  }
0xe6: {  	v3 =	vshll.u32 @!p1 v3, $0x1  }
0xe7: {  	v3 =	vor.u32 @!p1 v0, v3  }
0xe8: {  	[tilespmem:$0x9CD0] =	vst @!p1 v3  }
0xe9: {  	v3 =	vld @!p1 [tilespmem:s6+$0x220];
	_ =	sdelay $0x4  }
0xea: {  	v3 =	vshll.u32 @!p1 v3, $0x1  }
0xeb: {  	v3 =	vor.u32 @!p1 v0, v3  }
0xec: {  	[tilespmem:$0x9CE0] =	vst @!p1 v3  }
0xed: {  	v3 =	vld @!p1 [tilespmem:s6+$0x230];
	_ =	sdelay $0x4  }
0xee: {  	v3 =	vshll.u32 @!p1 v3, $0x1  }
0xef: {  	v3 =	vor.u32 @!p1 v0, v3  }
0xf0: {  	[tilespmem:$0x9CF0] =	vst @!p1 v3  }
0xf1: {  	v3 =	vld @!p1 [tilespmem:s6+$0x240];
	_ =	sdelay $0x4  }
0xf2: {  	v3 =	vshll.u32 @!p1 v3, $0x1  }
0xf3: {  	v3 =	vor.u32 @!p1 v0, v3  }
0xf4: {  	[tilespmem:$0x9D00] =	vst @!p1 v3  }
0xf5: {  	v3 =	vld @!p1 [tilespmem:s6+$0x250];
	_ =	sdelay $0x4  }
0xf6: {  	v3 =	vshll.u32 @!p1 v3, $0x1  }
0xf7: {  	v3 =	vor.u32 @!p1 v0, v3  }
0xf8: {  	[tilespmem:$0x9D10] =	vst @!p1 v3  }
0xf9: {  	v3 =	vld @!p1 [tilespmem:s6+$0x260];
	_ =	sdelay $0x4  }
0xfa: {  	v3 =	vshll.u32 @!p1 v3, $0x1  }
0xfb: {  	v3 =	vor.u32 @!p1 v0, v3  }
0xfc: {  	[tilespmem:$0x9D20] =	vst @!p1 v3  }
0xfd: {  	v3 =	vld @!p1 [tilespmem:s6+$0x270];
	_ =	sdelay $0x4  }
0xfe: {  	v3 =	vshll.u32 @!p1 v3, $0x1  }
0xff: {  	v3 =	vor.u32 @!p1 v0, v3  }
0x100: {  	s8 =	simm.s32 @!p1 $0xBDC0;
	s6 =	simm.s32 @!p1 $0x9CC0;
	[tilespmem:$0x9D30] =	vst @!p1 v3  }
0x101: {  	[tilespmem:s8], [sflag:$0x2] =	stream.indirect.gather @!p1 [hbm4b:s4+s7], $0x40, s6, s7, $0xb8;
	[tilespmem:$0x1E5C0] =	vst v63  }
0x102: {  	s9 =	sadd.s32 $0x4F20, s1  }
0x103: {  	[spmem:s2] =	stream.indirect.scatter.add.f32 [tilespmem:s26], [sflag:$0x6], $0x40, s9, s20, $0xb8;
	[tilespmem:$0x1E5C0] =	vst v63  }
0x104: {  	v3 =	vld [tilespmem:s1+$0x4F20];
	_ =	sdelay $0x7  }
0x105: {  	[tilespmem:v3+s28+$0x0] =	vst.idx.add.f32.msk $0xffff, v2  }
0x106: {  	v3 =	vld [tilespmem:s1+$0x4F30];
	_ =	sdelay $0x7  }
0x107: {  	[tilespmem:v3+s28+$0x0] =	vst.idx.add.f32.msk $0xffff, v2  }
0x108: {  	v3 =	vld [tilespmem:s1+$0x4F40];
	_ =	sdelay $0x7  }
0x109: {  	[tilespmem:v3+s28+$0x0] =	vst.idx.add.f32.msk $0xffff, v2  }
0x10a: {  	v3 =	vld [tilespmem:s1+$0x4F50];
	_ =	sdelay $0x7  }
0x10b: {  	[tilespmem:v3+s28+$0x0] =	vst.idx.add.f32.msk $0xffff, v2  }
0x10c: {  	v3 =	vld [tilespmem:s1+$0x4F60];
	_ =	sdelay $0x7  }
0x10d: {  	[tilespmem:v3+s28+$0x0] =	vst.idx.add.f32.msk $0xffff, v2  }
0x10e: {  	v3 =	vld [tilespmem:s1+$0x4F70];
	_ =	sdelay $0x7  }
0x10f: {  	[tilespmem:v3+s28+$0x0] =	vst.idx.add.f32.msk $0xffff, v2  }
0x110: {  	v3 =	vld [tilespmem:s1+$0x4F80];
	_ =	sdelay $0x7  }
0x111: {  	[tilespmem:v3+s28+$0x0] =	vst.idx.add.f32.msk $0xffff, v2  }
0x112: {  	v3 =	vld [tilespmem:s1+$0x4F90];
	_ =	sdelay $0x1  }
0x113: {  	s23 =	sadd.s32 $0x600, s23  }
0x114: {  	p1 =	sne.s32 s23, $0x13800  }
.Ltmp2:
0x115: {  	_ = 	snop;
	(pc) =	sbr.rel @p1 .LBB2_6-.Ltmp2, $2  }
0x116: {  	_ =	sdelay $0x2  }
0x117: {  	[tilespmem:v3+s28+$0x0] =	vst.idx.add.f32.msk $0xffff, v2  }
0x118: {  	_ =	swait.ge [sflag:s31], $0x2000  }
0x119: {  	[sflag:s31] =	ssyncset.done $0x0  }
0x11a: {  	[sflag:s31] =	ssyncadd.s32 $0xFFFFE000  }
0x11b: {  	v3 =	vld [tilespmem:$0x4E00]  }
0x11c: {  	v4 =	vld [tilespmem:$0x4E10];
	_ =	sdelay $0x3  }
0x11d: {  	v3 =	vshll.u32 v3, $0x1  }
0x11e: {  	v4 =	vshll.u32 v4, $0x1;
	v3 =	vor.u32 v0, v3  }
0x11f: {  	[tilespmem:$0x9C40] =	vst v3;
	v3 =	vor.u32 v0, v4  }
0x120: {  	[tilespmem:$0x9C50] =	vst v3  }
0x121: {  	[tilespmem:s22], [sflag:$0x7] =	stream.indirect.gather [hbm4b:s4+s0], $0x40, s21, s0, $0xb8;
	[tilespmem:$0x1E5C0] =	vst v63  }
0x122: {  	_ =	swait.ge [sflag:s16], $0x800  }
0x123: {  	[sflag:s16] =	ssyncset.done $0x0  }
0x124: {  	s1 =	simm.s32 $0x9C20;
	[sflag:s16] =	ssyncadd.s32 $0xFFFFF800  }
0x125: {  	[spmem:s2] =	stream.indirect.scatter.add.f32 [tilespmem:s22], [sflag:$0x7], $0x40, s1, s0, $0xb8;
	[tilespmem:$0x1E5C0] =	vst v63  }
0x126: {  	_ =	swait.ge [sflag:s16], $0x800  }
0x127: {  	[sflag:s16] =	ssyncset.done $0x0  }
0x128: {  	[sflag:s16] =	ssyncadd.s32 $0xFFFFF800  }
0x129: {  	v3 =	vld [tilespmem:$0x9C20];
	_ =	sdelay $0x7  }
0x12a: {  	[tilespmem:v3+s28+$0x0] =	vst.idx.add.f32.msk $0xffff, v2  }
0x12b: {  	v3 =	vld [tilespmem:$0x9C30];
	_ =	sdelay $0x7  }
0x12c: {  	s6 =	simm.s32 @!p0 $0x11DC0;
	s1 =	simm.s32 @!p0 $0x0;
	[tilespmem:v3+s28+$0x0] =	vst.idx.add.f32.msk $0xffff, v2  }
0x12d: {  	[hbm4b:s12+s1] =	stream.linear.scatter @!p0 [tilespmem:s6], [sflag:$0x7], $0x2800, $0x38;
	[tilespmem:$0x1E5C0] =	vst v63  }
0x12e: {  	s1 =	simm.s32 @!p0 $0x7  }
0x12f: {  	s9 =	stileid.u32;
	_ =	swait.ge @!p0 [sflag:s1], $0x2800  }
0x130: {  	s23 =	sshrl.u32 s5, $0x3;
	s3 =	sadd.s32 $0x1, s3;
	[sflag:s1] =	ssyncset.done @!p0 $0x0  }
0x131: {  	p1 =	sne.s32 s3, s14;
	[sflag:s1] =	ssyncadd.s32 @!p0 $0xFFFFD800;
	s1 =	sshll.u32 s9, $0x6  }
.Ltmp3:
0x132: {  	[bflag:$0x0] =	sbarrier.arrive $0xFFFF;
	s1 =	sor.u32 $0x1C07, s1;
	(pc) =	sbr.rel @p1 .LBB2_1-.Ltmp3, $4  }
0x133: {  	[hbm:s13], [sflag:s1] =	dma.local [spmem:s23], $0x1400  }
0x134: {  	_ =	swait.ge [sflag:s16], $0x1400  }
0x135: {  	[sflag:s16] =	ssyncset.done $0x0  }
0x136: {  	[sflag:s16] =	ssyncadd.s32 $0xFFFFEC00  }
0x137: {  	_ =	sfence.sel $0x180000  }
0x138: {  	[bflag:$0x0] =	sbarrier.arrive $0xFFFF  }
0x139: {  	_ =	strace $0x90000047  }
0x13a: {  	s0 =	stileid.u32;
	[bflag:$0x2] =	sbarrier.arrive $0xFFFF  }
0x13b: {  	p0 =	sne.s32 s0, $0x0;
	s0 =	rddreg [dreg:$0x4]  }
0x13c: {  	s0 =	sadd.s32 @!p0 $0x100000, s0  }
0x13d: {  	[sflag:s0] =	ssyncadd.tile.s32 @!p0 $0x1;
	_ =	shalt  }
.Lfunc_end2:
_tile_overlayer_lowered:
.L_overlay_start_2:
0x13e: {  	(tag) =	ssettag $0x2  }
0x13f: {  	s0 =	rddreg [dreg:$0x0];
	s2 =	stileid.u32  }
0x140: {  	s1 =	rddreg [dreg:$0x1];
	p0 =	sne.s32 s2, $0x0  }
0x141: {  	s3 =	rddreg [dreg:$0x2];
	[bflag:$0x3] =	sbarrier.arrive $0xFFFF;
	s2 =	simm.s32 @!p0 $0x1C07  }
0x142: {  	[timem:s3], [sflag:s2] =	dma.local @!p0 [hbm:s0], s1  }
0x143: {  	s0 =	simm.s32 @!p0 $0x7  }
0x144: {  	_ =	swait.ge @!p0 [sflag:s0], s1  }
0x145: {  	s1 =	ssub.s32 @!p0 $0x0, s1;
	[sflag:s0] =	ssyncset.done @!p0 $0x0  }
0x146: {  	[sflag:s0] =	ssyncadd.s32 @!p0 s1  }
0x147: {  	[bflag:$0x3] =	sbarrier.arrive $0xFFFF  }
0x148: {  	_ =	shalt  }

</sc_bundles>
